<compile_context>
chip_gen: v7x
topology: tpu7x:2x2x1
jax: 0.10.2.dev20260603
libtpu: 0.0.44.dev20260713+nightly
codegen_flags: <defaults>
</compile_context>

<pallas_src>
import functools

import jax
import jax.numpy as jnp
from jax import lax
from jax.experimental import pallas as pl
from jax.experimental.pallas import tpu as pltpu
from jax.experimental.pallas import tpu_sc as plsc

NUM_CORES = 2
NUM_SUBCORES = 16
L = 16
NIDX = 4


@functools.lru_cache(maxsize=None)
def _make_gather(S, B, V, D):
    n_bhi = B // 128
    n_grp = B // L
    mesh = plsc.VectorSubcoreMesh(core_axis_name="c", subcore_axis_name="s")

    @functools.partial(
        pl.kernel,
        mesh=mesh,
        out_type=jax.ShapeDtypeStruct((S, D // 8, n_bhi, 8, 128), jnp.float32),
        scratch_types=[
            pltpu.VMEM((V,), jnp.float32),
            [pltpu.VMEM((B,), jnp.int32) for _ in range(NIDX)],
            [pltpu.VMEM((n_bhi, 128), jnp.float32) for _ in range(2)],
            [pltpu.SemaphoreType.DMA for _ in range(NIDX)],
            [pltpu.SemaphoreType.DMA for _ in range(2)],
        ],
        compiler_params=pltpu.CompilerParams(
            use_tc_tiling_on_sc=False, needs_layout_passes=False
        ),
    )
    def gather_kernel(xT_hbm, tabT_hbm, out_hbm, trow, idx4, stage2, isem, osem):
        wid = lax.axis_index("s") * NUM_CORES + lax.axis_index("c")
        c_hi = wid // 8
        c_lo = wid % 8
        for r in range(NIDX - 1):
            pltpu.async_copy(xT_hbm.at[r], idx4[r], isem[r])
        pltpu.sync_copy(tabT_hbm.at[wid], trow)

        def step(s, r, par):
            idx_v, stage_v = idx4[r], stage2[par]
            pltpu.make_async_copy(xT_hbm.at[s], idx_v, isem[r]).wait()

            @pl.when(s + NIDX - 1 < S)
            def _prefetch():
                pltpu.async_copy(
                    xT_hbm.at[s + NIDX - 1],
                    idx4[(r + NIDX - 1) % NIDX],
                    isem[(r + NIDX - 1) % NIDX],
                )

            @pl.when(s >= 2)
            def _drain():
                pltpu.make_async_copy(
                    stage_v, out_hbm.at[s - 2, c_hi, :, c_lo, :], osem[par]
                ).wait()

            @plsc.parallel_loop(0, n_grp, step=1, unroll=8)
            def _vg(g):
                idx16 = idx_v[pl.ds(g * L, L)]
                vals = plsc.load_gather(trow, [idx16])
                stage_v[g // 8, pl.ds((g % 8) * L, L)] = vals

            pltpu.async_copy(
                stage_v, out_hbm.at[s, c_hi, :, c_lo, :], osem[par]
            )

        def four(j, _):
            for q in range(NIDX):
                step(NIDX * j + q, q, q % 2)
            return 0

        lax.fori_loop(0, S // NIDX, four, 0)
        for par, s in ((0, S - 2), (1, S - 1)):
            pltpu.make_async_copy(
                stage2[par], out_hbm.at[s, c_hi, :, c_lo, :], osem[par]
            ).wait()

    return gather_kernel


def kernel(x, table):
    B, S = x.shape
    V, D = table.shape
    xT = x.T.astype(jnp.int32)
    tabT = table.T
    out5 = _make_gather(S, B, V, D)(xT, tabT)
    return out5.transpose(2, 4, 0, 1, 3).reshape(B, S, D)

# --- scband reference (transcript-rebuilt; emitter-appended) ---
"""Pipeline reference for scband-gene-encoder-80857054315238 (READ-ONLY COPY).

The authoritative reference and input builder live on the scoring server;
editing this copy changes nothing except your own understanding.
"""

import jax, jax.numpy as jnp
import numpy as np

GENE_SIZE = 100000
GENE_DIMS = 32
PAD_TOKEN_ID = 0


def setup_inputs(seed: int = 0) -> dict:
    key = jax.random.key(seed)
    k_idx, k_tab = jax.random.split(key)
    x = jax.random.randint(k_idx, (4096, 200), 0, GENE_SIZE, dtype=jnp.int64 if jax.config.read('jax_enable_x64') else jnp.int32)
    table = jax.random.normal(k_tab, (GENE_SIZE, GENE_DIMS), dtype=jnp.float32)
    # nn.Embedding with padding_idx zeros the padding row at init
    table = table.at[PAD_TOKEN_ID].set(0.0)
    return {"x": x, "table": table}


def reference(x, table):
    # GeneEncoder.forward: embedding lookup (gather rows of the table)
    out = jnp.take(table, x, axis=0)
    return out

if __name__ == "__main__":
    import jax
    _d = setup_inputs()
    print(jax.jit(kernel)(*tuple(_d.values())))

</pallas_src>

<mosaic_0001>
#map = affine_map<(d0, d1) -> (0, 0)>
#map1 = affine_map<(d0, d1) -> (0, 0, 0, 0, 0)>
module attributes {stable_mosaic.version = 14 : i64} {
  func.func @gather_kernel(%arg0: i32, %arg1: i32, %arg2: memref<200x4096xi32, #tpu.memory_space<hbm>>, %arg3: memref<32x100000xf32, #tpu.memory_space<hbm>>, %arg4: memref<200x4x32x8x128xf32, #tpu.memory_space<hbm>>, %arg5: memref<100000xf32, #tpu.memory_space<vmem>>, %arg6: memref<4096xi32, #tpu.memory_space<vmem>>, %arg7: memref<4096xi32, #tpu.memory_space<vmem>>, %arg8: memref<4096xi32, #tpu.memory_space<vmem>>, %arg9: memref<4096xi32, #tpu.memory_space<vmem>>, %arg10: memref<32x128xf32, #tpu.memory_space<vmem>>, %arg11: memref<32x128xf32, #tpu.memory_space<vmem>>, %arg12: memref<!tpu.dma_semaphore, #tpu.memory_space<semaphore_mem>>, %arg13: memref<!tpu.dma_semaphore, #tpu.memory_space<semaphore_mem>>, %arg14: memref<!tpu.dma_semaphore, #tpu.memory_space<semaphore_mem>>, %arg15: memref<!tpu.dma_semaphore, #tpu.memory_space<semaphore_mem>>, %arg16: memref<!tpu.dma_semaphore, #tpu.memory_space<semaphore_mem>>, %arg17: memref<!tpu.dma_semaphore, #tpu.memory_space<semaphore_mem>>) attributes {dimension_semantics = [#tpu.dimension_semantics<core_parallel>, #tpu.dimension_semantics<subcore_parallel>], iteration_bounds = array<i64: 2, 16>, scalar_prefetch = 0 : i64, scratch_operands = 13 : i64, tpu.core_type = #tpu.core_type<sc_vector_subcore>, window_params = [{transform_indices = #map}, {transform_indices = #map}, {transform_indices = #map1}]} {
    %mul3A = arith.constant 2 : i32
    %mul3A_0 = arith.muli %arg1, %mul3A : i32
    %add3A = arith.addi %mul3A_0, %arg0 : i32
    %jit3A = arith.constant 8 : i32
    %div3A = arith.divsi %add3A, %jit3A : i32
    %sign3A = arith.constant 0 : i32
    %sign3A_1 = arith.cmpi sgt, %add3A, %sign3A : i32
    %sign3A_2 = arith.extui %sign3A_1 : i1 to i32
    %sign3A_3 = arith.constant 0 : i32
    %sign3A_4 = arith.cmpi slt, %add3A, %sign3A_3 : i32
    %sign3A_5 = arith.extui %sign3A_4 : i1 to i32
    %sign3A_6 = arith.subi %sign3A_2, %sign3A_5 : i32
    %sign3A_7 = arith.constant 0 : i32
    %sign3A_8 = arith.cmpi sgt, %jit3A, %sign3A_7 : i32
    %sign3A_9 = arith.extui %sign3A_8 : i1 to i32
    %sign3A_10 = arith.constant 0 : i32
    %sign3A_11 = arith.cmpi slt, %jit3A, %sign3A_10 : i32
    %sign3A_12 = arith.extui %sign3A_11 : i1 to i32
    %sign3A_13 = arith.subi %sign3A_9, %sign3A_12 : i32
    %ne3A = arith.cmpi ne, %sign3A_6, %sign3A_13 : i32
    %rem3A = arith.remsi %add3A, %jit3A : i32
    %ne3A_14 = arith.constant 0 : i32
    %ne3A_15 = arith.cmpi ne, %rem3A, %ne3A_14 : i32
    %and3A = arith.andi %ne3A, %ne3A_15 : i1
    %sub3A = arith.constant 1 : i32
    %sub3A_16 = arith.subi %div3A, %sub3A : i32
    %select_n3A = arith.select %and3A, %sub3A_16, %div3A : i32
    %jit3A_17 = arith.constant 8 : i32
    %eq3A = arith.constant 0 : i32
    %eq3A_18 = arith.cmpi eq, %jit3A_17, %eq3A : i32
    %jit3A_19 = arith.constant 1 : i32
    %select_n3A_20 = arith.select %eq3A_18, %jit3A_19, %jit3A_17 : i32
    %rem3A_21 = arith.remsi %add3A, %select_n3A_20 : i32
    %ne3A_22 = arith.constant 0 : i32
    %ne3A_23 = arith.cmpi ne, %rem3A_21, %ne3A_22 : i32
    %lt3A = arith.constant 0 : i32
    %lt3A_24 = arith.cmpi slt, %rem3A_21, %lt3A : i32
    %lt3A_25 = arith.constant 0 : i32
    %lt3A_26 = arith.cmpi slt, %select_n3A_20, %lt3A_25 : i32
    %ne3A_27 = arith.xori %lt3A_24, %lt3A_26 : i1
    %and3A_28 = arith.andi %ne3A_27, %ne3A_23 : i1
    %add3A_29 = arith.addi %rem3A_21, %select_n3A_20 : i32
    %select_n3A_30 = arith.select %and3A_28, %add3A_29, %rem3A_21 : i32
    %dma_start3A = arith.constant 0 : i32
    %dma_start3A_31 = arith.constant 0 : i32
    %dma_start3A_32 = tpu.memref_slice %arg2[%dma_start3A, %dma_start3A_31] : memref<200x4096xi32, #tpu.memory_space<hbm>> -> memref<1x4096xi32, #tpu.memory_space<hbm>>
    %dma_start3A_33 = tpu.memref_squeeze %dma_start3A_32 : memref<1x4096xi32, #tpu.memory_space<hbm>> -> memref<4096xi32, #tpu.memory_space<hbm>>
    %dma_start3A_34 = arith.constant 0 : i32
    %dma_start3A_35 = tpu.memref_slice %arg2[%dma_start3A, %dma_start3A_34] : memref<200x4096xi32, #tpu.memory_space<hbm>> -> memref<1x4096xi32, #tpu.memory_space<hbm>>
    %dma_start3A_36 = tpu.memref_squeeze %dma_start3A_35 : memref<1x4096xi32, #tpu.memory_space<hbm>> -> memref<4096xi32, #tpu.memory_space<hbm>>
    tpu.enqueue_dma source(%dma_start3A_36 : memref<4096xi32, #tpu.memory_space<hbm>>) target(%arg6 : memref<4096xi32, #tpu.memory_space<vmem>>) target_semaphore(%arg12 : memref<!tpu.dma_semaphore, #tpu.memory_space<semaphore_mem>>)
    %dma_start3A_37 = arith.constant 1 : i32
    %dma_start3A_38 = arith.constant 0 : i32
    %dma_start3A_39 = tpu.memref_slice %arg2[%dma_start3A_37, %dma_start3A_38] : memref<200x4096xi32, #tpu.memory_space<hbm>> -> memref<1x4096xi32, #tpu.memory_space<hbm>>
    %dma_start3A_40 = tpu.memref_squeeze %dma_start3A_39 : memref<1x4096xi32, #tpu.memory_space<hbm>> -> memref<4096xi32, #tpu.memory_space<hbm>>
    %dma_start3A_41 = arith.constant 0 : i32
    %dma_start3A_42 = tpu.memref_slice %arg2[%dma_start3A_37, %dma_start3A_41] : memref<200x4096xi32, #tpu.memory_space<hbm>> -> memref<1x4096xi32, #tpu.memory_space<hbm>>
    %dma_start3A_43 = tpu.memref_squeeze %dma_start3A_42 : memref<1x4096xi32, #tpu.memory_space<hbm>> -> memref<4096xi32, #tpu.memory_space<hbm>>
    tpu.enqueue_dma source(%dma_start3A_43 : memref<4096xi32, #tpu.memory_space<hbm>>) target(%arg7 : memref<4096xi32, #tpu.memory_space<vmem>>) target_semaphore(%arg13 : memref<!tpu.dma_semaphore, #tpu.memory_space<semaphore_mem>>)
    %dma_start3A_44 = arith.constant 2 : i32
    %dma_start3A_45 = arith.constant 0 : i32
    %dma_start3A_46 = tpu.memref_slice %arg2[%dma_start3A_44, %dma_start3A_45] : memref<200x4096xi32, #tpu.memory_space<hbm>> -> memref<1x4096xi32, #tpu.memory_space<hbm>>
    %dma_start3A_47 = tpu.memref_squeeze %dma_start3A_46 : memref<1x4096xi32, #tpu.memory_space<hbm>> -> memref<4096xi32, #tpu.memory_space<hbm>>
    %dma_start3A_48 = arith.constant 0 : i32
    %dma_start3A_49 = tpu.memref_slice %arg2[%dma_start3A_44, %dma_start3A_48] : memref<200x4096xi32, #tpu.memory_space<hbm>> -> memref<1x4096xi32, #tpu.memory_space<hbm>>
    %dma_start3A_50 = tpu.memref_squeeze %dma_start3A_49 : memref<1x4096xi32, #tpu.memory_space<hbm>> -> memref<4096xi32, #tpu.memory_space<hbm>>
    tpu.enqueue_dma source(%dma_start3A_50 : memref<4096xi32, #tpu.memory_space<hbm>>) target(%arg8 : memref<4096xi32, #tpu.memory_space<vmem>>) target_semaphore(%arg14 : memref<!tpu.dma_semaphore, #tpu.memory_space<semaphore_mem>>)
    "tpu.region"() ({
      %run_scoped3A = tpu.sem_alloc : memref<!tpu.dma_semaphore, #tpu.memory_space<semaphore_mem>>
      %dma_start3A_74 = arith.constant 0 : i32
      %dma_start3A_75 = tpu.memref_slice %arg3[%add3A, %dma_start3A_74] : memref<32x100000xf32, #tpu.memory_space<hbm>> -> memref<1x100000xf32, #tpu.memory_space<hbm>>
      %dma_start3A_76 = tpu.memref_squeeze %dma_start3A_75 : memref<1x100000xf32, #tpu.memory_space<hbm>> -> memref<100000xf32, #tpu.memory_space<hbm>>
      %dma_start3A_77 = arith.constant 0 : i32
      %dma_start3A_78 = tpu.memref_slice %arg3[%add3A, %dma_start3A_77] : memref<32x100000xf32, #tpu.memory_space<hbm>> -> memref<1x100000xf32, #tpu.memory_space<hbm>>
      %dma_start3A_79 = tpu.memref_squeeze %dma_start3A_78 : memref<1x100000xf32, #tpu.memory_space<hbm>> -> memref<100000xf32, #tpu.memory_space<hbm>>
      tpu.enqueue_dma source(%dma_start3A_79 : memref<100000xf32, #tpu.memory_space<hbm>>) target(%arg5 : memref<100000xf32, #tpu.memory_space<vmem>>) target_semaphore(%run_scoped3A : memref<!tpu.dma_semaphore, #tpu.memory_space<semaphore_mem>>)
      %dma_wait3A_80 = arith.constant 0 : i32
      %dma_wait3A_81 = tpu.memref_slice %arg3[%add3A, %dma_wait3A_80] : memref<32x100000xf32, #tpu.memory_space<hbm>> -> memref<1x100000xf32, #tpu.memory_space<hbm>>
      %dma_wait3A_82 = tpu.memref_squeeze %dma_wait3A_81 : memref<1x100000xf32, #tpu.memory_space<hbm>> -> memref<100000xf32, #tpu.memory_space<hbm>>
      %dma_wait3A_83 = arith.constant 0 : i32
      %dma_wait3A_84 = tpu.memref_slice %arg3[%add3A, %dma_wait3A_83] : memref<32x100000xf32, #tpu.memory_space<hbm>> -> memref<1x100000xf32, #tpu.memory_space<hbm>>
      %dma_wait3A_85 = tpu.memref_squeeze %dma_wait3A_84 : memref<1x100000xf32, #tpu.memory_space<hbm>> -> memref<100000xf32, #tpu.memory_space<hbm>>
      tpu.wait_dma2 semaphore(%run_scoped3A : memref<!tpu.dma_semaphore, #tpu.memory_space<semaphore_mem>>) src(%dma_wait3A_85 : memref<100000xf32, #tpu.memory_space<hbm>>) dst(%arg5 : memref<100000xf32, #tpu.memory_space<vmem>>)
      tpu.yield
    }) : () -> ()
    %scan3A = arith.constant 0 : i32
    %scan3A_51 = arith.constant 0 : i32
    %scan3A_52 = arith.constant 50 : i32
    %scan3A_53 = arith.addi %scan3A_51, %scan3A_52 : i32
    %scan3A_54 = arith.constant 1 : i32
    %scan3A_55 = scf.for %scan3A_74 = %scan3A_51 to %scan3A_53 step %scan3A_54 iter_args(%scan3A_75 = %scan3A) -> (i32)  : i32 {
      %mul3A_76 = arith.constant 4 : i32
      %mul3A_77 = arith.muli %mul3A_76, %scan3A_74 : i32
      %add3A_78 = arith.constant 0 : i32
      %add3A_79 = arith.addi %mul3A_77, %add3A_78 : i32
      %dma_wait3A_80 = arith.constant 0 : i32
      %dma_wait3A_81 = tpu.memref_slice %arg2[%add3A_79, %dma_wait3A_80] : memref<200x4096xi32, #tpu.memory_space<hbm>> -> memref<1x4096xi32, #tpu.memory_space<hbm>>
      %dma_wait3A_82 = tpu.memref_squeeze %dma_wait3A_81 : memref<1x4096xi32, #tpu.memory_space<hbm>> -> memref<4096xi32, #tpu.memory_space<hbm>>
      %dma_wait3A_83 = arith.constant 0 : i32
      %dma_wait3A_84 = tpu.memref_slice %arg2[%add3A_79, %dma_wait3A_83] : memref<200x4096xi32, #tpu.memory_space<hbm>> -> memref<1x4096xi32, #tpu.memory_space<hbm>>
      %dma_wait3A_85 = tpu.memref_squeeze %dma_wait3A_84 : memref<1x4096xi32, #tpu.memory_space<hbm>> -> memref<4096xi32, #tpu.memory_space<hbm>>
      tpu.wait_dma2 semaphore(%arg12 : memref<!tpu.dma_semaphore, #tpu.memory_space<semaphore_mem>>) src(%dma_wait3A_85 : memref<4096xi32, #tpu.memory_space<hbm>>) dst(%arg6 : memref<4096xi32, #tpu.memory_space<vmem>>)
      %add3A_86 = arith.constant 4 : i32
      %add3A_87 = arith.addi %add3A_79, %add3A_86 : i32
      %sub3A_88 = arith.constant 1 : i32
      %sub3A_89 = arith.subi %add3A_87, %sub3A_88 : i32
      %lt3A_90 = arith.constant 200 : i32
      %lt3A_91 = arith.cmpi slt, %sub3A_89, %lt3A_90 : i32
      %convert_element_type3A = arith.extui %lt3A_91 : i1 to i32
      %cond3A = arith.constant 0 : i32
      %cond3A_92 = arith.cmpi ne, %convert_element_type3A, %cond3A : i32
      scf.if %cond3A_92 {
        %add3A_213 = arith.constant 4 : i32
        %add3A_214 = arith.addi %add3A_79, %add3A_213 : i32
        %sub3A_215 = arith.constant 1 : i32
        %sub3A_216 = arith.subi %add3A_214, %sub3A_215 : i32
        %dma_start3A_217 = arith.constant 0 : i32
        %dma_start3A_218 = tpu.memref_slice %arg2[%sub3A_216, %dma_start3A_217] : memref<200x4096xi32, #tpu.memory_space<hbm>> -> memref<1x4096xi32, #tpu.memory_space<hbm>>
        %dma_start3A_219 = tpu.memref_squeeze %dma_start3A_218 : memref<1x4096xi32, #tpu.memory_space<hbm>> -> memref<4096xi32, #tpu.memory_space<hbm>>
        %dma_start3A_220 = arith.constant 0 : i32
        %dma_start3A_221 = tpu.memref_slice %arg2[%sub3A_216, %dma_start3A_220] : memref<200x4096xi32, #tpu.memory_space<hbm>> -> memref<1x4096xi32, #tpu.memory_space<hbm>>
        %dma_start3A_222 = tpu.memref_squeeze %dma_start3A_221 : memref<1x4096xi32, #tpu.memory_space<hbm>> -> memref<4096xi32, #tpu.memory_space<hbm>>
        tpu.enqueue_dma source(%dma_start3A_222 : memref<4096xi32, #tpu.memory_space<hbm>>) target(%arg9 : memref<4096xi32, #tpu.memory_space<vmem>>) target_semaphore(%arg15 : memref<!tpu.dma_semaphore, #tpu.memory_space<semaphore_mem>>)
      } else {
      }
      %ge3A = arith.constant 2 : i32
      %ge3A_93 = arith.cmpi sge, %add3A_79, %ge3A : i32
      %convert_element_type3A_94 = arith.extui %ge3A_93 : i1 to i32
      %cond3A_95 = arith.constant 0 : i32
      %cond3A_96 = arith.cmpi ne, %convert_element_type3A_94, %cond3A_95 : i32
      scf.if %cond3A_96 {
        %sub3A_213 = arith.constant 2 : i32
        %sub3A_214 = arith.subi %add3A_79, %sub3A_213 : i32
        %dma_wait3A_215 = arith.constant 0 : i32
        %dma_wait3A_216 = arith.constant 0 : i32
        %dma_wait3A_217 = tpu.memref_slice %arg4[%sub3A_214, %select_n3A, %dma_wait3A_215, %select_n3A_30, %dma_wait3A_216] : memref<200x4x32x8x128xf32, #tpu.memory_space<hbm>> -> memref<1x1x32x1x128xf32, #tpu.memory_space<hbm>>
        %dma_wait3A_218 = tpu.memref_squeeze %dma_wait3A_217 : memref<1x1x32x1x128xf32, #tpu.memory_space<hbm>> -> memref<32x128xf32, #tpu.memory_space<hbm>>
        %dma_wait3A_219 = arith.constant 0 : i32
        %dma_wait3A_220 = arith.constant 0 : i32
        %dma_wait3A_221 = tpu.memref_slice %arg4[%sub3A_214, %select_n3A, %dma_wait3A_219, %select_n3A_30, %dma_wait3A_220] : memref<200x4x32x8x128xf32, #tpu.memory_space<hbm>> -> memref<1x1x32x1x128xf32, #tpu.memory_space<hbm>>
        %dma_wait3A_222 = tpu.memref_squeeze %dma_wait3A_221 : memref<1x1x32x1x128xf32, #tpu.memory_space<hbm>> -> memref<32x128xf32, #tpu.memory_space<hbm>>
        tpu.wait_dma2 semaphore(%arg16 : memref<!tpu.dma_semaphore, #tpu.memory_space<semaphore_mem>>) src(%arg10 : memref<32x128xf32, #tpu.memory_space<vmem>>) dst(%dma_wait3A_222 : memref<32x128xf32, #tpu.memory_space<hbm>>)
      } else {
      }
      %parallel_loop3A = arith.constant 0 : i32
      %parallel_loop3A_97 = arith.constant 256 : i32
      %parallel_loop3A_98 = arith.constant 1 : i32
      scf.for %parallel_loop3A_213 = %parallel_loop3A to %parallel_loop3A_97 step %parallel_loop3A_98  : i32 {
        %parallel_loop3A_214 = arith.constant 16 : i32
        %parallel_loop3A_215 = arith.muli %parallel_loop3A_213, %parallel_loop3A_214 : i32
        %parallel_loop3A_216 = arith.index_cast %parallel_loop3A_215 : i32 to index
        %parallel_loop3A_217 = tpu.vector_load %arg6[%parallel_loop3A_216] {strides = array<i32>} : memref<4096xi32, #tpu.memory_space<vmem>>, vector<16xi32>,
        %parallel_loop3A_218 = tpu.vector_load_idx %arg5[%parallel_loop3A_217] : memref<100000xf32, #tpu.memory_space<vmem>>[vector<16xi32>], vector<16xf32>,
        %parallel_loop3A_219 = arith.constant 8 : i32
        %parallel_loop3A_220 = arith.divsi %parallel_loop3A_213, %parallel_loop3A_219 : i32
        %parallel_loop3A_221 = arith.constant 0 : i32
        %parallel_loop3A_222 = arith.cmpi sgt, %parallel_loop3A_213, %parallel_loop3A_221 : i32
        %parallel_loop3A_223 = arith.extui %parallel_loop3A_222 : i1 to i32
        %parallel_loop3A_224 = arith.constant 0 : i32
        %parallel_loop3A_225 = arith.cmpi slt, %parallel_loop3A_213, %parallel_loop3A_224 : i32
        %parallel_loop3A_226 = arith.extui %parallel_loop3A_225 : i1 to i32
        %parallel_loop3A_227 = arith.subi %parallel_loop3A_223, %parallel_loop3A_226 : i32
        %parallel_loop3A_228 = arith.constant 0 : i32
        %parallel_loop3A_229 = arith.cmpi sgt, %parallel_loop3A_219, %parallel_loop3A_228 : i32
        %parallel_loop3A_230 = arith.extui %parallel_loop3A_229 : i1 to i32
        %parallel_loop3A_231 = arith.constant 0 : i32
        %parallel_loop3A_232 = arith.cmpi slt, %parallel_loop3A_219, %parallel_loop3A_231 : i32
        %parallel_loop3A_233 = arith.extui %parallel_loop3A_232 : i1 to i32
        %parallel_loop3A_234 = arith.subi %parallel_loop3A_230, %parallel_loop3A_233 : i32
        %parallel_loop3A_235 = arith.cmpi ne, %parallel_loop3A_227, %parallel_loop3A_234 : i32
        %parallel_loop3A_236 = arith.remsi %parallel_loop3A_213, %parallel_loop3A_219 : i32
        %parallel_loop3A_237 = arith.constant 0 : i32
        %parallel_loop3A_238 = arith.cmpi ne, %parallel_loop3A_236, %parallel_loop3A_237 : i32
        %parallel_loop3A_239 = arith.andi %parallel_loop3A_235, %parallel_loop3A_238 : i1
        %parallel_loop3A_240 = arith.constant 1 : i32
        %parallel_loop3A_241 = arith.subi %parallel_loop3A_220, %parallel_loop3A_240 : i32
        %parallel_loop3A_242 = arith.select %parallel_loop3A_239, %parallel_loop3A_241, %parallel_loop3A_220 : i32
        %parallel_loop3A_243 = arith.constant 8 : i32
        %parallel_loop3A_244 = arith.constant 0 : i32
        %parallel_loop3A_245 = arith.cmpi eq, %parallel_loop3A_243, %parallel_loop3A_244 : i32
        %parallel_loop3A_246 = arith.constant 1 : i32
        %parallel_loop3A_247 = arith.select %parallel_loop3A_245, %parallel_loop3A_246, %parallel_loop3A_243 : i32
        %parallel_loop3A_248 = arith.remsi %parallel_loop3A_213, %parallel_loop3A_247 : i32
        %parallel_loop3A_249 = arith.constant 0 : i32
        %parallel_loop3A_250 = arith.cmpi ne, %parallel_loop3A_248, %parallel_loop3A_249 : i32
        %parallel_loop3A_251 = arith.constant 0 : i32
        %parallel_loop3A_252 = arith.cmpi slt, %parallel_loop3A_248, %parallel_loop3A_251 : i32
        %parallel_loop3A_253 = arith.constant 0 : i32
        %parallel_loop3A_254 = arith.cmpi slt, %parallel_loop3A_247, %parallel_loop3A_253 : i32
        %parallel_loop3A_255 = arith.xori %parallel_loop3A_252, %parallel_loop3A_254 : i1
        %parallel_loop3A_256 = arith.andi %parallel_loop3A_255, %parallel_loop3A_250 : i1
        %parallel_loop3A_257 = arith.addi %parallel_loop3A_248, %parallel_loop3A_247 : i32
        %parallel_loop3A_258 = arith.select %parallel_loop3A_256, %parallel_loop3A_257, %parallel_loop3A_248 : i32
        %parallel_loop3A_259 = arith.constant 16 : i32
        %parallel_loop3A_260 = arith.muli %parallel_loop3A_258, %parallel_loop3A_259 : i32
        %parallel_loop3A_261 = arith.index_cast %parallel_loop3A_242 : i32 to index
        %parallel_loop3A_262 = arith.index_cast %parallel_loop3A_260 : i32 to index
        %parallel_loop3A_263 = tpu.vector_load %arg10[%parallel_loop3A_261, %parallel_loop3A_262] {strides = array<i32>} : memref<32x128xf32, #tpu.memory_space<vmem>>, vector<16xf32>,
        tpu.vector_store %arg10[%parallel_loop3A_261, %parallel_loop3A_262], %parallel_loop3A_218 {strides = array<i32>} : memref<32x128xf32, #tpu.memory_space<vmem>>, vector<16xf32>,
      } {sc.loop_unroll_factor = 8 : i64, sc.parallel_access}
      %dma_start3A_99 = arith.constant 0 : i32
      %dma_start3A_100 = arith.constant 0 : i32
      %dma_start3A_101 = tpu.memref_slice %arg4[%add3A_79, %select_n3A, %dma_start3A_99, %select_n3A_30, %dma_start3A_100] : memref<200x4x32x8x128xf32, #tpu.memory_space<hbm>> -> memref<1x1x32x1x128xf32, #tpu.memory_space<hbm>>
      %dma_start3A_102 = tpu.memref_squeeze %dma_start3A_101 : memref<1x1x32x1x128xf32, #tpu.memory_space<hbm>> -> memref<32x128xf32, #tpu.memory_space<hbm>>
      %dma_start3A_103 = arith.constant 0 : i32
      %dma_start3A_104 = arith.constant 0 : i32
      %dma_start3A_105 = tpu.memref_slice %arg4[%add3A_79, %select_n3A, %dma_start3A_103, %select_n3A_30, %dma_start3A_104] : memref<200x4x32x8x128xf32, #tpu.memory_space<hbm>> -> memref<1x1x32x1x128xf32, #tpu.memory_space<hbm>>
      %dma_start3A_106 = tpu.memref_squeeze %dma_start3A_105 : memref<1x1x32x1x128xf32, #tpu.memory_space<hbm>> -> memref<32x128xf32, #tpu.memory_space<hbm>>
      tpu.enqueue_dma source(%arg10 : memref<32x128xf32, #tpu.memory_space<vmem>>) target(%dma_start3A_106 : memref<32x128xf32, #tpu.memory_space<hbm>>) target_semaphore(%arg16 : memref<!tpu.dma_semaphore, #tpu.memory_space<semaphore_mem>>)
      %mul3A_107 = arith.constant 4 : i32
      %mul3A_108 = arith.muli %mul3A_107, %scan3A_74 : i32
      %add3A_109 = arith.constant 1 : i32
      %add3A_110 = arith.addi %mul3A_108, %add3A_109 : i32
      %dma_wait3A_111 = arith.constant 0 : i32
      %dma_wait3A_112 = tpu.memref_slice %arg2[%add3A_110, %dma_wait3A_111] : memref<200x4096xi32, #tpu.memory_space<hbm>> -> memref<1x4096xi32, #tpu.memory_space<hbm>>
      %dma_wait3A_113 = tpu.memref_squeeze %dma_wait3A_112 : memref<1x4096xi32, #tpu.memory_space<hbm>> -> memref<4096xi32, #tpu.memory_space<hbm>>
      %dma_wait3A_114 = arith.constant 0 : i32
      %dma_wait3A_115 = tpu.memref_slice %arg2[%add3A_110, %dma_wait3A_114] : memref<200x4096xi32, #tpu.memory_space<hbm>> -> memref<1x4096xi32, #tpu.memory_space<hbm>>
      %dma_wait3A_116 = tpu.memref_squeeze %dma_wait3A_115 : memref<1x4096xi32, #tpu.memory_space<hbm>> -> memref<4096xi32, #tpu.memory_space<hbm>>
      tpu.wait_dma2 semaphore(%arg13 : memref<!tpu.dma_semaphore, #tpu.memory_space<semaphore_mem>>) src(%dma_wait3A_116 : memref<4096xi32, #tpu.memory_space<hbm>>) dst(%arg7 : memref<4096xi32, #tpu.memory_space<vmem>>)
      %add3A_117 = arith.constant 4 : i32
      %add3A_118 = arith.addi %add3A_110, %add3A_117 : i32
      %sub3A_119 = arith.constant 1 : i32
      %sub3A_120 = arith.subi %add3A_118, %sub3A_119 : i32
      %lt3A_121 = arith.constant 200 : i32
      %lt3A_122 = arith.cmpi slt, %sub3A_120, %lt3A_121 : i32
      %convert_element_type3A_123 = arith.extui %lt3A_122 : i1 to i32
      %cond3A_124 = arith.constant 0 : i32
      %cond3A_125 = arith.cmpi ne, %convert_element_type3A_123, %cond3A_124 : i32
      scf.if %cond3A_125 {
        %add3A_213 = arith.constant 4 : i32
        %add3A_214 = arith.addi %add3A_110, %add3A_213 : i32
        %sub3A_215 = arith.constant 1 : i32
        %sub3A_216 = arith.subi %add3A_214, %sub3A_215 : i32
        %dma_start3A_217 = arith.constant 0 : i32
        %dma_start3A_218 = tpu.memref_slice %arg2[%sub3A_216, %dma_start3A_217] : memref<200x4096xi32, #tpu.memory_space<hbm>> -> memref<1x4096xi32, #tpu.memory_space<hbm>>
        %dma_start3A_219 = tpu.memref_squeeze %dma_start3A_218 : memref<1x4096xi32, #tpu.memory_space<hbm>> -> memref<4096xi32, #tpu.memory_space<hbm>>
        %dma_start3A_220 = arith.constant 0 : i32
        %dma_start3A_221 = tpu.memref_slice %arg2[%sub3A_216, %dma_start3A_220] : memref<200x4096xi32, #tpu.memory_space<hbm>> -> memref<1x4096xi32, #tpu.memory_space<hbm>>
        %dma_start3A_222 = tpu.memref_squeeze %dma_start3A_221 : memref<1x4096xi32, #tpu.memory_space<hbm>> -> memref<4096xi32, #tpu.memory_space<hbm>>
        tpu.enqueue_dma source(%dma_start3A_222 : memref<4096xi32, #tpu.memory_space<hbm>>) target(%arg6 : memref<4096xi32, #tpu.memory_space<vmem>>) target_semaphore(%arg12 : memref<!tpu.dma_semaphore, #tpu.memory_space<semaphore_mem>>)
      } else {
      }
      %ge3A_126 = arith.constant 2 : i32
      %ge3A_127 = arith.cmpi sge, %add3A_110, %ge3A_126 : i32
      %convert_element_type3A_128 = arith.extui %ge3A_127 : i1 to i32
      %cond3A_129 = arith.constant 0 : i32
      %cond3A_130 = arith.cmpi ne, %convert_element_type3A_128, %cond3A_129 : i32
      scf.if %cond3A_130 {
        %sub3A_213 = arith.constant 2 : i32
        %sub3A_214 = arith.subi %add3A_110, %sub3A_213 : i32
        %dma_wait3A_215 = arith.constant 0 : i32
        %dma_wait3A_216 = arith.constant 0 : i32
        %dma_wait3A_217 = tpu.memref_slice %arg4[%sub3A_214, %select_n3A, %dma_wait3A_215, %select_n3A_30, %dma_wait3A_216] : memref<200x4x32x8x128xf32, #tpu.memory_space<hbm>> -> memref<1x1x32x1x128xf32, #tpu.memory_space<hbm>>
        %dma_wait3A_218 = tpu.memref_squeeze %dma_wait3A_217 : memref<1x1x32x1x128xf32, #tpu.memory_space<hbm>> -> memref<32x128xf32, #tpu.memory_space<hbm>>
        %dma_wait3A_219 = arith.constant 0 : i32
        %dma_wait3A_220 = arith.constant 0 : i32
        %dma_wait3A_221 = tpu.memref_slice %arg4[%sub3A_214, %select_n3A, %dma_wait3A_219, %select_n3A_30, %dma_wait3A_220] : memref<200x4x32x8x128xf32, #tpu.memory_space<hbm>> -> memref<1x1x32x1x128xf32, #tpu.memory_space<hbm>>
        %dma_wait3A_222 = tpu.memref_squeeze %dma_wait3A_221 : memref<1x1x32x1x128xf32, #tpu.memory_space<hbm>> -> memref<32x128xf32, #tpu.memory_space<hbm>>
        tpu.wait_dma2 semaphore(%arg17 : memref<!tpu.dma_semaphore, #tpu.memory_space<semaphore_mem>>) src(%arg11 : memref<32x128xf32, #tpu.memory_space<vmem>>) dst(%dma_wait3A_222 : memref<32x128xf32, #tpu.memory_space<hbm>>)
      } else {
      }
      %parallel_loop3A_131 = arith.constant 0 : i32
      %parallel_loop3A_132 = arith.constant 256 : i32
      %parallel_loop3A_133 = arith.constant 1 : i32
      scf.for %parallel_loop3A_213 = %parallel_loop3A_131 to %parallel_loop3A_132 step %parallel_loop3A_133  : i32 {
        %parallel_loop3A_214 = arith.constant 16 : i32
        %parallel_loop3A_215 = arith.muli %parallel_loop3A_213, %parallel_loop3A_214 : i32
        %parallel_loop3A_216 = arith.index_cast %parallel_loop3A_215 : i32 to index
        %parallel_loop3A_217 = tpu.vector_load %arg7[%parallel_loop3A_216] {strides = array<i32>} : memref<4096xi32, #tpu.memory_space<vmem>>, vector<16xi32>,
        %parallel_loop3A_218 = tpu.vector_load_idx %arg5[%parallel_loop3A_217] : memref<100000xf32, #tpu.memory_space<vmem>>[vector<16xi32>], vector<16xf32>,
        %parallel_loop3A_219 = arith.constant 8 : i32
        %parallel_loop3A_220 = arith.divsi %parallel_loop3A_213, %parallel_loop3A_219 : i32
        %parallel_loop3A_221 = arith.constant 0 : i32
        %parallel_loop3A_222 = arith.cmpi sgt, %parallel_loop3A_213, %parallel_loop3A_221 : i32
        %parallel_loop3A_223 = arith.extui %parallel_loop3A_222 : i1 to i32
        %parallel_loop3A_224 = arith.constant 0 : i32
        %parallel_loop3A_225 = arith.cmpi slt, %parallel_loop3A_213, %parallel_loop3A_224 : i32
        %parallel_loop3A_226 = arith.extui %parallel_loop3A_225 : i1 to i32
        %parallel_loop3A_227 = arith.subi %parallel_loop3A_223, %parallel_loop3A_226 : i32
        %parallel_loop3A_228 = arith.constant 0 : i32
        %parallel_loop3A_229 = arith.cmpi sgt, %parallel_loop3A_219, %parallel_loop3A_228 : i32
        %parallel_loop3A_230 = arith.extui %parallel_loop3A_229 : i1 to i32
        %parallel_loop3A_231 = arith.constant 0 : i32
        %parallel_loop3A_232 = arith.cmpi slt, %parallel_loop3A_219, %parallel_loop3A_231 : i32
        %parallel_loop3A_233 = arith.extui %parallel_loop3A_232 : i1 to i32
        %parallel_loop3A_234 = arith.subi %parallel_loop3A_230, %parallel_loop3A_233 : i32
        %parallel_loop3A_235 = arith.cmpi ne, %parallel_loop3A_227, %parallel_loop3A_234 : i32
        %parallel_loop3A_236 = arith.remsi %parallel_loop3A_213, %parallel_loop3A_219 : i32
        %parallel_loop3A_237 = arith.constant 0 : i32
        %parallel_loop3A_238 = arith.cmpi ne, %parallel_loop3A_236, %parallel_loop3A_237 : i32
        %parallel_loop3A_239 = arith.andi %parallel_loop3A_235, %parallel_loop3A_238 : i1
        %parallel_loop3A_240 = arith.constant 1 : i32
        %parallel_loop3A_241 = arith.subi %parallel_loop3A_220, %parallel_loop3A_240 : i32
        %parallel_loop3A_242 = arith.select %parallel_loop3A_239, %parallel_loop3A_241, %parallel_loop3A_220 : i32
        %parallel_loop3A_243 = arith.constant 8 : i32
        %parallel_loop3A_244 = arith.constant 0 : i32
        %parallel_loop3A_245 = arith.cmpi eq, %parallel_loop3A_243, %parallel_loop3A_244 : i32
        %parallel_loop3A_246 = arith.constant 1 : i32
        %parallel_loop3A_247 = arith.select %parallel_loop3A_245, %parallel_loop3A_246, %parallel_loop3A_243 : i32
        %parallel_loop3A_248 = arith.remsi %parallel_loop3A_213, %parallel_loop3A_247 : i32
        %parallel_loop3A_249 = arith.constant 0 : i32
        %parallel_loop3A_250 = arith.cmpi ne, %parallel_loop3A_248, %parallel_loop3A_249 : i32
        %parallel_loop3A_251 = arith.constant 0 : i32
        %parallel_loop3A_252 = arith.cmpi slt, %parallel_loop3A_248, %parallel_loop3A_251 : i32
        %parallel_loop3A_253 = arith.constant 0 : i32
        %parallel_loop3A_254 = arith.cmpi slt, %parallel_loop3A_247, %parallel_loop3A_253 : i32
        %parallel_loop3A_255 = arith.xori %parallel_loop3A_252, %parallel_loop3A_254 : i1
        %parallel_loop3A_256 = arith.andi %parallel_loop3A_255, %parallel_loop3A_250 : i1
        %parallel_loop3A_257 = arith.addi %parallel_loop3A_248, %parallel_loop3A_247 : i32
        %parallel_loop3A_258 = arith.select %parallel_loop3A_256, %parallel_loop3A_257, %parallel_loop3A_248 : i32
        %parallel_loop3A_259 = arith.constant 16 : i32
        %parallel_loop3A_260 = arith.muli %parallel_loop3A_258, %parallel_loop3A_259 : i32
        %parallel_loop3A_261 = arith.index_cast %parallel_loop3A_242 : i32 to index
        %parallel_loop3A_262 = arith.index_cast %parallel_loop3A_260 : i32 to index
        %parallel_loop3A_263 = tpu.vector_load %arg11[%parallel_loop3A_261, %parallel_loop3A_262] {strides = array<i32>} : memref<32x128xf32, #tpu.memory_space<vmem>>, vector<16xf32>,
        tpu.vector_store %arg11[%parallel_loop3A_261, %parallel_loop3A_262], %parallel_loop3A_218 {strides = array<i32>} : memref<32x128xf32, #tpu.memory_space<vmem>>, vector<16xf32>,
      } {sc.loop_unroll_factor = 8 : i64, sc.parallel_access}
      %dma_start3A_134 = arith.constant 0 : i32
      %dma_start3A_135 = arith.constant 0 : i32
      %dma_start3A_136 = tpu.memref_slice %arg4[%add3A_110, %select_n3A, %dma_start3A_134, %select_n3A_30, %dma_start3A_135] : memref<200x4x32x8x128xf32, #tpu.memory_space<hbm>> -> memref<1x1x32x1x128xf32, #tpu.memory_space<hbm>>
      %dma_start3A_137 = tpu.memref_squeeze %dma_start3A_136 : memref<1x1x32x1x128xf32, #tpu.memory_space<hbm>> -> memref<32x128xf32, #tpu.memory_space<hbm>>
      %dma_start3A_138 = arith.constant 0 : i32
      %dma_start3A_139 = arith.constant 0 : i32
      %dma_start3A_140 = tpu.memref_slice %arg4[%add3A_110, %select_n3A, %dma_start3A_138, %select_n3A_30, %dma_start3A_139] : memref<200x4x32x8x128xf32, #tpu.memory_space<hbm>> -> memref<1x1x32x1x128xf32, #tpu.memory_space<hbm>>
      %dma_start3A_141 = tpu.memref_squeeze %dma_start3A_140 : memref<1x1x32x1x128xf32, #tpu.memory_space<hbm>> -> memref<32x128xf32, #tpu.memory_space<hbm>>
      tpu.enqueue_dma source(%arg11 : memref<32x128xf32, #tpu.memory_space<vmem>>) target(%dma_start3A_141 : memref<32x128xf32, #tpu.memory_space<hbm>>) target_semaphore(%arg17 : memref<!tpu.dma_semaphore, #tpu.memory_space<semaphore_mem>>)
      %mul3A_142 = arith.constant 4 : i32
      %mul3A_143 = arith.muli %mul3A_142, %scan3A_74 : i32
      %add3A_144 = arith.constant 2 : i32
      %add3A_145 = arith.addi %mul3A_143, %add3A_144 : i32
      %dma_wait3A_146 = arith.constant 0 : i32
      %dma_wait3A_147 = tpu.memref_slice %arg2[%add3A_145, %dma_wait3A_146] : memref<200x4096xi32, #tpu.memory_space<hbm>> -> memref<1x4096xi32, #tpu.memory_space<hbm>>
      %dma_wait3A_148 = tpu.memref_squeeze %dma_wait3A_147 : memref<1x4096xi32, #tpu.memory_space<hbm>> -> memref<4096xi32, #tpu.memory_space<hbm>>
      %dma_wait3A_149 = arith.constant 0 : i32
      %dma_wait3A_150 = tpu.memref_slice %arg2[%add3A_145, %dma_wait3A_149] : memref<200x4096xi32, #tpu.memory_space<hbm>> -> memref<1x4096xi32, #tpu.memory_space<hbm>>
      %dma_wait3A_151 = tpu.memref_squeeze %dma_wait3A_150 : memref<1x4096xi32, #tpu.memory_space<hbm>> -> memref<4096xi32, #tpu.memory_space<hbm>>
      tpu.wait_dma2 semaphore(%arg14 : memref<!tpu.dma_semaphore, #tpu.memory_space<semaphore_mem>>) src(%dma_wait3A_151 : memref<4096xi32, #tpu.memory_space<hbm>>) dst(%arg8 : memref<4096xi32, #tpu.memory_space<vmem>>)
      %add3A_152 = arith.constant 4 : i32
      %add3A_153 = arith.addi %add3A_145, %add3A_152 : i32
      %sub3A_154 = arith.constant 1 : i32
      %sub3A_155 = arith.subi %add3A_153, %sub3A_154 : i32
      %lt3A_156 = arith.constant 200 : i32
      %lt3A_157 = arith.cmpi slt, %sub3A_155, %lt3A_156 : i32
      %convert_element_type3A_158 = arith.extui %lt3A_157 : i1 to i32
      %cond3A_159 = arith.constant 0 : i32
      %cond3A_160 = arith.cmpi ne, %convert_element_type3A_158, %cond3A_159 : i32
      scf.if %cond3A_160 {
        %add3A_213 = arith.constant 4 : i32
        %add3A_214 = arith.addi %add3A_145, %add3A_213 : i32
        %sub3A_215 = arith.constant 1 : i32
        %sub3A_216 = arith.subi %add3A_214, %sub3A_215 : i32
        %dma_start3A_217 = arith.constant 0 : i32
        %dma_start3A_218 = tpu.memref_slice %arg2[%sub3A_216, %dma_start3A_217] : memref<200x4096xi32, #tpu.memory_space<hbm>> -> memref<1x4096xi32, #tpu.memory_space<hbm>>
        %dma_start3A_219 = tpu.memref_squeeze %dma_start3A_218 : memref<1x4096xi32, #tpu.memory_space<hbm>> -> memref<4096xi32, #tpu.memory_space<hbm>>
        %dma_start3A_220 = arith.constant 0 : i32
        %dma_start3A_221 = tpu.memref_slice %arg2[%sub3A_216, %dma_start3A_220] : memref<200x4096xi32, #tpu.memory_space<hbm>> -> memref<1x4096xi32, #tpu.memory_space<hbm>>
        %dma_start3A_222 = tpu.memref_squeeze %dma_start3A_221 : memref<1x4096xi32, #tpu.memory_space<hbm>> -> memref<4096xi32, #tpu.memory_space<hbm>>
        tpu.enqueue_dma source(%dma_start3A_222 : memref<4096xi32, #tpu.memory_space<hbm>>) target(%arg7 : memref<4096xi32, #tpu.memory_space<vmem>>) target_semaphore(%arg13 : memref<!tpu.dma_semaphore, #tpu.memory_space<semaphore_mem>>)
      } else {
      }
      %ge3A_161 = arith.constant 2 : i32
      %ge3A_162 = arith.cmpi sge, %add3A_145, %ge3A_161 : i32
      %convert_element_type3A_163 = arith.extui %ge3A_162 : i1 to i32
      %cond3A_164 = arith.constant 0 : i32
      %cond3A_165 = arith.cmpi ne, %convert_element_type3A_163, %cond3A_164 : i32
      scf.if %cond3A_165 {
        %sub3A_213 = arith.constant 2 : i32
        %sub3A_214 = arith.subi %add3A_145, %sub3A_213 : i32
        %dma_wait3A_215 = arith.constant 0 : i32
        %dma_wait3A_216 = arith.constant 0 : i32
        %dma_wait3A_217 = tpu.memref_slice %arg4[%sub3A_214, %select_n3A, %dma_wait3A_215, %select_n3A_30, %dma_wait3A_216] : memref<200x4x32x8x128xf32, #tpu.memory_space<hbm>> -> memref<1x1x32x1x128xf32, #tpu.memory_space<hbm>>
        %dma_wait3A_218 = tpu.memref_squeeze %dma_wait3A_217 : memref<1x1x32x1x128xf32, #tpu.memory_space<hbm>> -> memref<32x128xf32, #tpu.memory_space<hbm>>
        %dma_wait3A_219 = arith.constant 0 : i32
        %dma_wait3A_220 = arith.constant 0 : i32
        %dma_wait3A_221 = tpu.memref_slice %arg4[%sub3A_214, %select_n3A, %dma_wait3A_219, %select_n3A_30, %dma_wait3A_220] : memref<200x4x32x8x128xf32, #tpu.memory_space<hbm>> -> memref<1x1x32x1x128xf32, #tpu.memory_space<hbm>>
        %dma_wait3A_222 = tpu.memref_squeeze %dma_wait3A_221 : memref<1x1x32x1x128xf32, #tpu.memory_space<hbm>> -> memref<32x128xf32, #tpu.memory_space<hbm>>
        tpu.wait_dma2 semaphore(%arg16 : memref<!tpu.dma_semaphore, #tpu.memory_space<semaphore_mem>>) src(%arg10 : memref<32x128xf32, #tpu.memory_space<vmem>>) dst(%dma_wait3A_222 : memref<32x128xf32, #tpu.memory_space<hbm>>)
      } else {
      }
      %parallel_loop3A_166 = arith.constant 0 : i32
      %parallel_loop3A_167 = arith.constant 256 : i32
      %parallel_loop3A_168 = arith.constant 1 : i32
      scf.for %parallel_loop3A_213 = %parallel_loop3A_166 to %parallel_loop3A_167 step %parallel_loop3A_168  : i32 {
        %parallel_loop3A_214 = arith.constant 16 : i32
        %parallel_loop3A_215 = arith.muli %parallel_loop3A_213, %parallel_loop3A_214 : i32
        %parallel_loop3A_216 = arith.index_cast %parallel_loop3A_215 : i32 to index
        %parallel_loop3A_217 = tpu.vector_load %arg8[%parallel_loop3A_216] {strides = array<i32>} : memref<4096xi32, #tpu.memory_space<vmem>>, vector<16xi32>,
        %parallel_loop3A_218 = tpu.vector_load_idx %arg5[%parallel_loop3A_217] : memref<100000xf32, #tpu.memory_space<vmem>>[vector<16xi32>], vector<16xf32>,
        %parallel_loop3A_219 = arith.constant 8 : i32
        %parallel_loop3A_220 = arith.divsi %parallel_loop3A_213, %parallel_loop3A_219 : i32
        %parallel_loop3A_221 = arith.constant 0 : i32
        %parallel_loop3A_222 = arith.cmpi sgt, %parallel_loop3A_213, %parallel_loop3A_221 : i32
        %parallel_loop3A_223 = arith.extui %parallel_loop3A_222 : i1 to i32
        %parallel_loop3A_224 = arith.constant 0 : i32
        %parallel_loop3A_225 = arith.cmpi slt, %parallel_loop3A_213, %parallel_loop3A_224 : i32
        %parallel_loop3A_226 = arith.extui %parallel_loop3A_225 : i1 to i32
        %parallel_loop3A_227 = arith.subi %parallel_loop3A_223, %parallel_loop3A_226 : i32
        %parallel_loop3A_228 = arith.constant 0 : i32
        %parallel_loop3A_229 = arith.cmpi sgt, %parallel_loop3A_219, %parallel_loop3A_228 : i32
        %parallel_loop3A_230 = arith.extui %parallel_loop3A_229 : i1 to i32
        %parallel_loop3A_231 = arith.constant 0 : i32
        %parallel_loop3A_232 = arith.cmpi slt, %parallel_loop3A_219, %parallel_loop3A_231 : i32
        %parallel_loop3A_233 = arith.extui %parallel_loop3A_232 : i1 to i32
        %parallel_loop3A_234 = arith.subi %parallel_loop3A_230, %parallel_loop3A_233 : i32
        %parallel_loop3A_235 = arith.cmpi ne, %parallel_loop3A_227, %parallel_loop3A_234 : i32
        %parallel_loop3A_236 = arith.remsi %parallel_loop3A_213, %parallel_loop3A_219 : i32
        %parallel_loop3A_237 = arith.constant 0 : i32
        %parallel_loop3A_238 = arith.cmpi ne, %parallel_loop3A_236, %parallel_loop3A_237 : i32
        %parallel_loop3A_239 = arith.andi %parallel_loop3A_235, %parallel_loop3A_238 : i1
        %parallel_loop3A_240 = arith.constant 1 : i32
        %parallel_loop3A_241 = arith.subi %parallel_loop3A_220, %parallel_loop3A_240 : i32
        %parallel_loop3A_242 = arith.select %parallel_loop3A_239, %parallel_loop3A_241, %parallel_loop3A_220 : i32
        %parallel_loop3A_243 = arith.constant 8 : i32
        %parallel_loop3A_244 = arith.constant 0 : i32
        %parallel_loop3A_245 = arith.cmpi eq, %parallel_loop3A_243, %parallel_loop3A_244 : i32
        %parallel_loop3A_246 = arith.constant 1 : i32
        %parallel_loop3A_247 = arith.select %parallel_loop3A_245, %parallel_loop3A_246, %parallel_loop3A_243 : i32
        %parallel_loop3A_248 = arith.remsi %parallel_loop3A_213, %parallel_loop3A_247 : i32
        %parallel_loop3A_249 = arith.constant 0 : i32
        %parallel_loop3A_250 = arith.cmpi ne, %parallel_loop3A_248, %parallel_loop3A_249 : i32
        %parallel_loop3A_251 = arith.constant 0 : i32
        %parallel_loop3A_252 = arith.cmpi slt, %parallel_loop3A_248, %parallel_loop3A_251 : i32
        %parallel_loop3A_253 = arith.constant 0 : i32
        %parallel_loop3A_254 = arith.cmpi slt, %parallel_loop3A_247, %parallel_loop3A_253 : i32
        %parallel_loop3A_255 = arith.xori %parallel_loop3A_252, %parallel_loop3A_254 : i1
        %parallel_loop3A_256 = arith.andi %parallel_loop3A_255, %parallel_loop3A_250 : i1
        %parallel_loop3A_257 = arith.addi %parallel_loop3A_248, %parallel_loop3A_247 : i32
        %parallel_loop3A_258 = arith.select %parallel_loop3A_256, %parallel_loop3A_257, %parallel_loop3A_248 : i32
        %parallel_loop3A_259 = arith.constant 16 : i32
        %parallel_loop3A_260 = arith.muli %parallel_loop3A_258, %parallel_loop3A_259 : i32
        %parallel_loop3A_261 = arith.index_cast %parallel_loop3A_242 : i32 to index
        %parallel_loop3A_262 = arith.index_cast %parallel_loop3A_260 : i32 to index
        %parallel_loop3A_263 = tpu.vector_load %arg10[%parallel_loop3A_261, %parallel_loop3A_262] {strides = array<i32>} : memref<32x128xf32, #tpu.memory_space<vmem>>, vector<16xf32>,
        tpu.vector_store %arg10[%parallel_loop3A_261, %parallel_loop3A_262], %parallel_loop3A_218 {strides = array<i32>} : memref<32x128xf32, #tpu.memory_space<vmem>>, vector<16xf32>,
      } {sc.loop_unroll_factor = 8 : i64, sc.parallel_access}
      %dma_start3A_169 = arith.constant 0 : i32
      %dma_start3A_170 = arith.constant 0 : i32
      %dma_start3A_171 = tpu.memref_slice %arg4[%add3A_145, %select_n3A, %dma_start3A_169, %select_n3A_30, %dma_start3A_170] : memref<200x4x32x8x128xf32, #tpu.memory_space<hbm>> -> memref<1x1x32x1x128xf32, #tpu.memory_space<hbm>>
      %dma_start3A_172 = tpu.memref_squeeze %dma_start3A_171 : memref<1x1x32x1x128xf32, #tpu.memory_space<hbm>> -> memref<32x128xf32, #tpu.memory_space<hbm>>
      %dma_start3A_173 = arith.constant 0 : i32
      %dma_start3A_174 = arith.constant 0 : i32
      %dma_start3A_175 = tpu.memref_slice %arg4[%add3A_145, %select_n3A, %dma_start3A_173, %select_n3A_30, %dma_start3A_174] : memref<200x4x32x8x128xf32, #tpu.memory_space<hbm>> -> memref<1x1x32x1x128xf32, #tpu.memory_space<hbm>>
      %dma_start3A_176 = tpu.memref_squeeze %dma_start3A_175 : memref<1x1x32x1x128xf32, #tpu.memory_space<hbm>> -> memref<32x128xf32, #tpu.memory_space<hbm>>
      tpu.enqueue_dma source(%arg10 : memref<32x128xf32, #tpu.memory_space<vmem>>) target(%dma_start3A_176 : memref<32x128xf32, #tpu.memory_space<hbm>>) target_semaphore(%arg16 : memref<!tpu.dma_semaphore, #tpu.memory_space<semaphore_mem>>)
      %mul3A_177 = arith.constant 4 : i32
      %mul3A_178 = arith.muli %mul3A_177, %scan3A_74 : i32
      %add3A_179 = arith.constant 3 : i32
      %add3A_180 = arith.addi %mul3A_178, %add3A_179 : i32
      %dma_wait3A_181 = arith.constant 0 : i32
      %dma_wait3A_182 = tpu.memref_slice %arg2[%add3A_180, %dma_wait3A_181] : memref<200x4096xi32, #tpu.memory_space<hbm>> -> memref<1x4096xi32, #tpu.memory_space<hbm>>
      %dma_wait3A_183 = tpu.memref_squeeze %dma_wait3A_182 : memref<1x4096xi32, #tpu.memory_space<hbm>> -> memref<4096xi32, #tpu.memory_space<hbm>>
      %dma_wait3A_184 = arith.constant 0 : i32
      %dma_wait3A_185 = tpu.memref_slice %arg2[%add3A_180, %dma_wait3A_184] : memref<200x4096xi32, #tpu.memory_space<hbm>> -> memref<1x4096xi32, #tpu.memory_space<hbm>>
      %dma_wait3A_186 = tpu.memref_squeeze %dma_wait3A_185 : memref<1x4096xi32, #tpu.memory_space<hbm>> -> memref<4096xi32, #tpu.memory_space<hbm>>
      tpu.wait_dma2 semaphore(%arg15 : memref<!tpu.dma_semaphore, #tpu.memory_space<semaphore_mem>>) src(%dma_wait3A_186 : memref<4096xi32, #tpu.memory_space<hbm>>) dst(%arg9 : memref<4096xi32, #tpu.memory_space<vmem>>)
      %add3A_187 = arith.constant 4 : i32
      %add3A_188 = arith.addi %add3A_180, %add3A_187 : i32
      %sub3A_189 = arith.constant 1 : i32
      %sub3A_190 = arith.subi %add3A_188, %sub3A_189 : i32
      %lt3A_191 = arith.constant 200 : i32
      %lt3A_192 = arith.cmpi slt, %sub3A_190, %lt3A_191 : i32
      %convert_element_type3A_193 = arith.extui %lt3A_192 : i1 to i32
      %cond3A_194 = arith.constant 0 : i32
      %cond3A_195 = arith.cmpi ne, %convert_element_type3A_193, %cond3A_194 : i32
      scf.if %cond3A_195 {
        %add3A_213 = arith.constant 4 : i32
        %add3A_214 = arith.addi %add3A_180, %add3A_213 : i32
        %sub3A_215 = arith.constant 1 : i32
        %sub3A_216 = arith.subi %add3A_214, %sub3A_215 : i32
        %dma_start3A_217 = arith.constant 0 : i32
        %dma_start3A_218 = tpu.memref_slice %arg2[%sub3A_216, %dma_start3A_217] : memref<200x4096xi32, #tpu.memory_space<hbm>> -> memref<1x4096xi32, #tpu.memory_space<hbm>>
        %dma_start3A_219 = tpu.memref_squeeze %dma_start3A_218 : memref<1x4096xi32, #tpu.memory_space<hbm>> -> memref<4096xi32, #tpu.memory_space<hbm>>
        %dma_start3A_220 = arith.constant 0 : i32
        %dma_start3A_221 = tpu.memref_slice %arg2[%sub3A_216, %dma_start3A_220] : memref<200x4096xi32, #tpu.memory_space<hbm>> -> memref<1x4096xi32, #tpu.memory_space<hbm>>
        %dma_start3A_222 = tpu.memref_squeeze %dma_start3A_221 : memref<1x4096xi32, #tpu.memory_space<hbm>> -> memref<4096xi32, #tpu.memory_space<hbm>>
        tpu.enqueue_dma source(%dma_start3A_222 : memref<4096xi32, #tpu.memory_space<hbm>>) target(%arg8 : memref<4096xi32, #tpu.memory_space<vmem>>) target_semaphore(%arg14 : memref<!tpu.dma_semaphore, #tpu.memory_space<semaphore_mem>>)
      } else {
      }
      %ge3A_196 = arith.constant 2 : i32
      %ge3A_197 = arith.cmpi sge, %add3A_180, %ge3A_196 : i32
      %convert_element_type3A_198 = arith.extui %ge3A_197 : i1 to i32
      %cond3A_199 = arith.constant 0 : i32
      %cond3A_200 = arith.cmpi ne, %convert_element_type3A_198, %cond3A_199 : i32
      scf.if %cond3A_200 {
        %sub3A_213 = arith.constant 2 : i32
        %sub3A_214 = arith.subi %add3A_180, %sub3A_213 : i32
        %dma_wait3A_215 = arith.constant 0 : i32
        %dma_wait3A_216 = arith.constant 0 : i32
        %dma_wait3A_217 = tpu.memref_slice %arg4[%sub3A_214, %select_n3A, %dma_wait3A_215, %select_n3A_30, %dma_wait3A_216] : memref<200x4x32x8x128xf32, #tpu.memory_space<hbm>> -> memref<1x1x32x1x128xf32, #tpu.memory_space<hbm>>
        %dma_wait3A_218 = tpu.memref_squeeze %dma_wait3A_217 : memref<1x1x32x1x128xf32, #tpu.memory_space<hbm>> -> memref<32x128xf32, #tpu.memory_space<hbm>>
        %dma_wait3A_219 = arith.constant 0 : i32
        %dma_wait3A_220 = arith.constant 0 : i32
        %dma_wait3A_221 = tpu.memref_slice %arg4[%sub3A_214, %select_n3A, %dma_wait3A_219, %select_n3A_30, %dma_wait3A_220] : memref<200x4x32x8x128xf32, #tpu.memory_space<hbm>> -> memref<1x1x32x1x128xf32, #tpu.memory_space<hbm>>
        %dma_wait3A_222 = tpu.memref_squeeze %dma_wait3A_221 : memref<1x1x32x1x128xf32, #tpu.memory_space<hbm>> -> memref<32x128xf32, #tpu.memory_space<hbm>>
        tpu.wait_dma2 semaphore(%arg17 : memref<!tpu.dma_semaphore, #tpu.memory_space<semaphore_mem>>) src(%arg11 : memref<32x128xf32, #tpu.memory_space<vmem>>) dst(%dma_wait3A_222 : memref<32x128xf32, #tpu.memory_space<hbm>>)
      } else {
      }
      %parallel_loop3A_201 = arith.constant 0 : i32
      %parallel_loop3A_202 = arith.constant 256 : i32
      %parallel_loop3A_203 = arith.constant 1 : i32
      scf.for %parallel_loop3A_213 = %parallel_loop3A_201 to %parallel_loop3A_202 step %parallel_loop3A_203  : i32 {
        %parallel_loop3A_214 = arith.constant 16 : i32
        %parallel_loop3A_215 = arith.muli %parallel_loop3A_213, %parallel_loop3A_214 : i32
        %parallel_loop3A_216 = arith.index_cast %parallel_loop3A_215 : i32 to index
        %parallel_loop3A_217 = tpu.vector_load %arg9[%parallel_loop3A_216] {strides = array<i32>} : memref<4096xi32, #tpu.memory_space<vmem>>, vector<16xi32>,
        %parallel_loop3A_218 = tpu.vector_load_idx %arg5[%parallel_loop3A_217] : memref<100000xf32, #tpu.memory_space<vmem>>[vector<16xi32>], vector<16xf32>,
        %parallel_loop3A_219 = arith.constant 8 : i32
        %parallel_loop3A_220 = arith.divsi %parallel_loop3A_213, %parallel_loop3A_219 : i32
        %parallel_loop3A_221 = arith.constant 0 : i32
        %parallel_loop3A_222 = arith.cmpi sgt, %parallel_loop3A_213, %parallel_loop3A_221 : i32
        %parallel_loop3A_223 = arith.extui %parallel_loop3A_222 : i1 to i32
        %parallel_loop3A_224 = arith.constant 0 : i32
        %parallel_loop3A_225 = arith.cmpi slt, %parallel_loop3A_213, %parallel_loop3A_224 : i32
        %parallel_loop3A_226 = arith.extui %parallel_loop3A_225 : i1 to i32
        %parallel_loop3A_227 = arith.subi %parallel_loop3A_223, %parallel_loop3A_226 : i32
        %parallel_loop3A_228 = arith.constant 0 : i32
        %parallel_loop3A_229 = arith.cmpi sgt, %parallel_loop3A_219, %parallel_loop3A_228 : i32
        %parallel_loop3A_230 = arith.extui %parallel_loop3A_229 : i1 to i32
        %parallel_loop3A_231 = arith.constant 0 : i32
        %parallel_loop3A_232 = arith.cmpi slt, %parallel_loop3A_219, %parallel_loop3A_231 : i32
        %parallel_loop3A_233 = arith.extui %parallel_loop3A_232 : i1 to i32
        %parallel_loop3A_234 = arith.subi %parallel_loop3A_230, %parallel_loop3A_233 : i32
        %parallel_loop3A_235 = arith.cmpi ne, %parallel_loop3A_227, %parallel_loop3A_234 : i32
        %parallel_loop3A_236 = arith.remsi %parallel_loop3A_213, %parallel_loop3A_219 : i32
        %parallel_loop3A_237 = arith.constant 0 : i32
        %parallel_loop3A_238 = arith.cmpi ne, %parallel_loop3A_236, %parallel_loop3A_237 : i32
        %parallel_loop3A_239 = arith.andi %parallel_loop3A_235, %parallel_loop3A_238 : i1
        %parallel_loop3A_240 = arith.constant 1 : i32
        %parallel_loop3A_241 = arith.subi %parallel_loop3A_220, %parallel_loop3A_240 : i32
        %parallel_loop3A_242 = arith.select %parallel_loop3A_239, %parallel_loop3A_241, %parallel_loop3A_220 : i32
        %parallel_loop3A_243 = arith.constant 8 : i32
        %parallel_loop3A_244 = arith.constant 0 : i32
        %parallel_loop3A_245 = arith.cmpi eq, %parallel_loop3A_243, %parallel_loop3A_244 : i32
        %parallel_loop3A_246 = arith.constant 1 : i32
        %parallel_loop3A_247 = arith.select %parallel_loop3A_245, %parallel_loop3A_246, %parallel_loop3A_243 : i32
        %parallel_loop3A_248 = arith.remsi %parallel_loop3A_213, %parallel_loop3A_247 : i32
        %parallel_loop3A_249 = arith.constant 0 : i32
        %parallel_loop3A_250 = arith.cmpi ne, %parallel_loop3A_248, %parallel_loop3A_249 : i32
        %parallel_loop3A_251 = arith.constant 0 : i32
        %parallel_loop3A_252 = arith.cmpi slt, %parallel_loop3A_248, %parallel_loop3A_251 : i32
        %parallel_loop3A_253 = arith.constant 0 : i32
        %parallel_loop3A_254 = arith.cmpi slt, %parallel_loop3A_247, %parallel_loop3A_253 : i32
        %parallel_loop3A_255 = arith.xori %parallel_loop3A_252, %parallel_loop3A_254 : i1
        %parallel_loop3A_256 = arith.andi %parallel_loop3A_255, %parallel_loop3A_250 : i1
        %parallel_loop3A_257 = arith.addi %parallel_loop3A_248, %parallel_loop3A_247 : i32
        %parallel_loop3A_258 = arith.select %parallel_loop3A_256, %parallel_loop3A_257, %parallel_loop3A_248 : i32
        %parallel_loop3A_259 = arith.constant 16 : i32
        %parallel_loop3A_260 = arith.muli %parallel_loop3A_258, %parallel_loop3A_259 : i32
        %parallel_loop3A_261 = arith.index_cast %parallel_loop3A_242 : i32 to index
        %parallel_loop3A_262 = arith.index_cast %parallel_loop3A_260 : i32 to index
        %parallel_loop3A_263 = tpu.vector_load %arg11[%parallel_loop3A_261, %parallel_loop3A_262] {strides = array<i32>} : memref<32x128xf32, #tpu.memory_space<vmem>>, vector<16xf32>,
        tpu.vector_store %arg11[%parallel_loop3A_261, %parallel_loop3A_262], %parallel_loop3A_218 {strides = array<i32>} : memref<32x128xf32, #tpu.memory_space<vmem>>, vector<16xf32>,
      } {sc.loop_unroll_factor = 8 : i64, sc.parallel_access}
      %dma_start3A_204 = arith.constant 0 : i32
      %dma_start3A_205 = arith.constant 0 : i32
      %dma_start3A_206 = tpu.memref_slice %arg4[%add3A_180, %select_n3A, %dma_start3A_204, %select_n3A_30, %dma_start3A_205] : memref<200x4x32x8x128xf32, #tpu.memory_space<hbm>> -> memref<1x1x32x1x128xf32, #tpu.memory_space<hbm>>
      %dma_start3A_207 = tpu.memref_squeeze %dma_start3A_206 : memref<1x1x32x1x128xf32, #tpu.memory_space<hbm>> -> memref<32x128xf32, #tpu.memory_space<hbm>>
      %dma_start3A_208 = arith.constant 0 : i32
      %dma_start3A_209 = arith.constant 0 : i32
      %dma_start3A_210 = tpu.memref_slice %arg4[%add3A_180, %select_n3A, %dma_start3A_208, %select_n3A_30, %dma_start3A_209] : memref<200x4x32x8x128xf32, #tpu.memory_space<hbm>> -> memref<1x1x32x1x128xf32, #tpu.memory_space<hbm>>
      %dma_start3A_211 = tpu.memref_squeeze %dma_start3A_210 : memref<1x1x32x1x128xf32, #tpu.memory_space<hbm>> -> memref<32x128xf32, #tpu.memory_space<hbm>>
      tpu.enqueue_dma source(%arg11 : memref<32x128xf32, #tpu.memory_space<vmem>>) target(%dma_start3A_211 : memref<32x128xf32, #tpu.memory_space<hbm>>) target_semaphore(%arg17 : memref<!tpu.dma_semaphore, #tpu.memory_space<semaphore_mem>>)
      %scan3A_212 = arith.constant 0 : i32
      scf.yield %scan3A_212 : i32
    }
    %scan3A_56 = arith.constant 50 : i32
    %dma_wait3A = arith.constant 198 : i32
    %dma_wait3A_57 = arith.constant 0 : i32
    %dma_wait3A_58 = arith.constant 0 : i32
    %dma_wait3A_59 = tpu.memref_slice %arg4[%dma_wait3A, %select_n3A, %dma_wait3A_57, %select_n3A_30, %dma_wait3A_58] : memref<200x4x32x8x128xf32, #tpu.memory_space<hbm>> -> memref<1x1x32x1x128xf32, #tpu.memory_space<hbm>>
    %dma_wait3A_60 = tpu.memref_squeeze %dma_wait3A_59 : memref<1x1x32x1x128xf32, #tpu.memory_space<hbm>> -> memref<32x128xf32, #tpu.memory_space<hbm>>
    %dma_wait3A_61 = arith.constant 0 : i32
    %dma_wait3A_62 = arith.constant 0 : i32
    %dma_wait3A_63 = tpu.memref_slice %arg4[%dma_wait3A, %select_n3A, %dma_wait3A_61, %select_n3A_30, %dma_wait3A_62] : memref<200x4x32x8x128xf32, #tpu.memory_space<hbm>> -> memref<1x1x32x1x128xf32, #tpu.memory_space<hbm>>
    %dma_wait3A_64 = tpu.memref_squeeze %dma_wait3A_63 : memref<1x1x32x1x128xf32, #tpu.memory_space<hbm>> -> memref<32x128xf32, #tpu.memory_space<hbm>>
    tpu.wait_dma2 semaphore(%arg16 : memref<!tpu.dma_semaphore, #tpu.memory_space<semaphore_mem>>) src(%arg10 : memref<32x128xf32, #tpu.memory_space<vmem>>) dst(%dma_wait3A_64 : memref<32x128xf32, #tpu.memory_space<hbm>>)
    %dma_wait3A_65 = arith.constant 199 : i32
    %dma_wait3A_66 = arith.constant 0 : i32
    %dma_wait3A_67 = arith.constant 0 : i32
    %dma_wait3A_68 = tpu.memref_slice %arg4[%dma_wait3A_65, %select_n3A, %dma_wait3A_66, %select_n3A_30, %dma_wait3A_67] : memref<200x4x32x8x128xf32, #tpu.memory_space<hbm>> -> memref<1x1x32x1x128xf32, #tpu.memory_space<hbm>>
    %dma_wait3A_69 = tpu.memref_squeeze %dma_wait3A_68 : memref<1x1x32x1x128xf32, #tpu.memory_space<hbm>> -> memref<32x128xf32, #tpu.memory_space<hbm>>
    %dma_wait3A_70 = arith.constant 0 : i32
    %dma_wait3A_71 = arith.constant 0 : i32
    %dma_wait3A_72 = tpu.memref_slice %arg4[%dma_wait3A_65, %select_n3A, %dma_wait3A_70, %select_n3A_30, %dma_wait3A_71] : memref<200x4x32x8x128xf32, #tpu.memory_space<hbm>> -> memref<1x1x32x1x128xf32, #tpu.memory_space<hbm>>
    %dma_wait3A_73 = tpu.memref_squeeze %dma_wait3A_72 : memref<1x1x32x1x128xf32, #tpu.memory_space<hbm>> -> memref<32x128xf32, #tpu.memory_space<hbm>>
    tpu.wait_dma2 semaphore(%arg17 : memref<!tpu.dma_semaphore, #tpu.memory_space<semaphore_mem>>) src(%arg11 : memref<32x128xf32, #tpu.memory_space<vmem>>) dst(%dma_wait3A_73 : memref<32x128xf32, #tpu.memory_space<hbm>>)
    return
  }
}

</mosaic_0001>

<sc_bundles>
// kernel: kernel.3.cloned.1.call-start
scs
__scs_entry_jumppad:
0x0: {  	(pc) =	sbr.rel $0x88, $3  }
0x1: {  	(tag) =	ssettag $0x0;
	lr =	simm.s32 $0x1  }
0x2: {  	[smem:$0x3F9F] =	sst lr;
	_ =	strace $0xD0000000  }
0x3: {  	_ = 	snop  }
0x4: {  	_ = 	snop  }
0x5: {  	_ = 	snop  }
0x6: {  	_ = 	snop  }
0x7: {  	_ = 	snop  }
__scs_overlays_trampoline_lowered:
0x8: {  	[smem:$0x3FAE] =	sst s0  }
0x9: {  	[smem:$0x3FAF] =	sst s1  }
0xa: {  	[smem:$0x3FB0] =	sst s2  }
0xb: {  	[smem:$0x3FB1] =	sst s3  }
0xc: {  	[smem:$0x3FB2] =	sst s4  }
0xd: {  	[smem:$0x3FB3] =	sst s5  }
0xe: {  	[smem:$0x3FB4] =	sst s6  }
0xf: {  	[smem:$0x3FB5] =	sst s7  }
0x10: {  	[smem:$0x3FB6] =	sst s8  }
0x11: {  	[smem:$0x3FB7] =	sst s9;
	s0 =	simm.s32 @!p0 $0x0  }
0x12: {  	s1 =	sld [smem:$0x3F9D];
	s0 =	simm.s32 @p0 $0x1  }
0x13: {  	[smem:$0x3FB8] =	sst s0;
	s0 =	simm.s32 @!p1 $0x0  }
0x14: {  	s2 =	sld [smem:$0x3F9C];
	s0 =	simm.s32 @p1 $0x1  }
0x15: {  	[smem:$0x3FB9] =	sst s0;
	s0 =	simm.s32 @!p2 $0x0  }
0x16: {  	s3 =	sld [smem:$0x3FDB];
	s0 =	simm.s32 @p2 $0x1  }
0x17: {  	s4 =	simm.s32 $0x1BF5;
	[smem:$0x3FBB] =	sst s0  }
0x18: {  	s0 =	sld [smem:$0x3F9E];
	_ =	swait.ge [sflag:s4], $0x0  }
0x19: {  	s7 =	sld [smem:$0x3F9F]  }
0x1a: {  	s8 =	sadd.s32 $0xFFFFE003, lr  }
0x1b: {  	s9 =	sadd.s32 $0xFFFFFEF7, lr;
	s5 =	simm.s32 $0xFFFFFFFF;
	p2 =	slt.u32 s8, $0xFFFFF086  }
0x1c: {  	p1 =	slt.u32 s9, $0xF7A;
	s5 =	simm.s32 @!p2 $0x0  }
0x1d: {  	s5 =	simm.s32 @p1 $0x1;
	p0 =	seq.s32 s7, s2  }
0x1e: {  	s7 =	smul.u32 @!p0 $0xF7A, s2;
	p2 =	seq.s32 @!p0 s5, $0x0  }
0x1f: {  	s9 =	smul.u32 $0xF7A, s1;
	s8 =	simm.s32 @!p0 $0x1BF5;
	p2 =	por !p2, p0  }
0x20: {  	[sflag:s8] =	ssyncset.s32 @!p0 $0xFFFFF086;
	s6 =	sadd.s32 @!p0 s3, s7;
	s7 =	simm.s32 @!p0 $0x108  }
0x21: {  	s3 =	sadd.s32 s3, s9;
	s6 =	sadd.s32 @!p0 $0x88, s6;
	s7 =	simm.s32 @p2 $0x1082  }
0x22: {  	[simem:s7], [sflag:s8] =	dma.local @!p0 [hbm:s6], $0xF7A  }
0x23: {  	s9 =	sor.u32 $0xD0000000, s2;
	s6 =	simm.s32 $0x108;
	_ =	swait.ge @!p0 [sflag:s8], $0x0  }
0x24: {  	s3 =	sadd.s32 $0x88, s3;
	s6 =	simm.s32 @!p1 $0x1082;
	[sflag:s4] =	ssyncset.s32 $0xFFFFF086  }
0x25: {  	[simem:s6], [sflag:s4] =	dma.local [hbm:s3], $0xF7A  }
0x26: {  	[smem:$0x3F9F] =	sst s1;
	(tag) =	ssettag s2;
	_ =	strace s9  }
0x27: {  	s1 =	sld [smem:$0x3FAF]  }
0x28: {  	s2 =	sld [smem:$0x3FB0]  }
0x29: {  	s4 =	sld [smem:$0x3FB2]  }
0x2a: {  	p0 =	seq.s32 s5, $0x0;
	s5 =	sld [smem:$0x3FB3]  }
0x2b: {  	s6 =	sld [smem:$0x3FB4]  }
0x2c: {  	s7 =	sld [smem:$0x3FB5]  }
0x2d: {  	s3 =	simm.s32 $0x108;
	s8 =	sld [smem:$0x3FB6]  }
0x2e: {  	s3 =	simm.s32 @!p0 $0x1082;
	s9 =	sld [smem:$0x3FB7]  }
0x2f: {  	lr =	sadd.s32 s0, s3;
	s0 =	sld [smem:$0x3FAE]  }
0x30: {  	s3 =	sld [smem:$0x3FB1]  }
0x31: {  	[smem:$0x3FBA] =	sst s10  }
0x32: {  	s10 =	sld [smem:$0x3FB8];
	_ =	sdelay $0x3  }
0x33: {  	p0 =	seq.s32 s10, $0x1;
	s10 =	sld [smem:$0x3FBA];
	_ =	sdelay $0x3  }
0x34: {  	[smem:$0x3FBA] =	sst s10  }
0x35: {  	s10 =	sld [smem:$0x3FB9];
	_ =	sdelay $0x3  }
0x36: {  	p1 =	seq.s32 s10, $0x1;
	s10 =	sld [smem:$0x3FBA];
	_ =	sdelay $0x3  }
0x37: {  	[smem:$0x3FBA] =	sst s10  }
0x38: {  	s10 =	sld [smem:$0x3FBB]  }
0x39: {  	_ = 	snop;
	(pc) =	sbr.ind lr, $3  }
0x3a: {  	_ = 	snop  }
0x3b: {  	_ = 	snop  }
0x3c: {  	p2 =	seq.s32 s10, $0x1;
	s10 =	sld [smem:$0x3FBA]  }
0x3d: {  	_ =	shalt  }
0x3e: {  	_ =	shalt  }
0x3f: {  	_ =	shalt  }
0x40: {  	_ =	shalt  }
0x41: {  	_ =	shalt  }
0x42: {  	_ =	shalt  }
0x43: {  	_ =	shalt  }
0x44: {  	_ =	shalt  }
0x45: {  	_ =	shalt  }
0x46: {  	_ =	shalt  }
0x47: {  	_ =	shalt  }
0x48: {  	_ =	shalt  }
0x49: {  	_ =	shalt  }
0x4a: {  	_ =	shalt  }
0x4b: {  	_ =	shalt  }
0x4c: {  	_ =	shalt  }
0x4d: {  	_ =	shalt  }
0x4e: {  	_ =	shalt  }
0x4f: {  	_ =	shalt  }
0x50: {  	_ =	shalt  }
0x51: {  	_ =	shalt  }
0x52: {  	_ =	shalt  }
0x53: {  	_ =	shalt  }
0x54: {  	_ =	shalt  }
0x55: {  	_ =	shalt  }
0x56: {  	_ =	shalt  }
0x57: {  	_ =	shalt  }
0x58: {  	_ =	shalt  }
0x59: {  	_ =	shalt  }
0x5a: {  	_ =	shalt  }
0x5b: {  	_ =	shalt  }
0x5c: {  	_ =	shalt  }
0x5d: {  	_ =	shalt  }
0x5e: {  	_ =	shalt  }
0x5f: {  	_ =	shalt  }
0x60: {  	_ =	shalt  }
0x61: {  	_ =	shalt  }
0x62: {  	_ =	shalt  }
0x63: {  	_ =	shalt  }
0x64: {  	_ =	shalt  }
0x65: {  	_ =	shalt  }
0x66: {  	_ =	shalt  }
0x67: {  	_ =	shalt  }
0x68: {  	_ =	shalt  }
0x69: {  	_ =	shalt  }
0x6a: {  	_ =	shalt  }
0x6b: {  	_ =	shalt  }
0x6c: {  	_ =	shalt  }
0x6d: {  	_ =	shalt  }
0x6e: {  	_ =	shalt  }
0x6f: {  	_ =	shalt  }
0x70: {  	_ =	shalt  }
0x71: {  	_ =	shalt  }
0x72: {  	_ =	shalt  }
0x73: {  	_ =	shalt  }
0x74: {  	_ =	shalt  }
0x75: {  	_ =	shalt  }
0x76: {  	_ =	shalt  }
0x77: {  	_ =	shalt  }
0x78: {  	_ =	shalt  }
0x79: {  	_ =	shalt  }
0x7a: {  	_ =	shalt  }
0x7b: {  	_ =	shalt  }
0x7c: {  	_ =	shalt  }
0x7d: {  	_ =	shalt  }
0x7e: {  	_ =	shalt  }
0x7f: {  	_ =	shalt  }
0x80: {  	_ =	shalt  }
0x81: {  	_ =	shalt  }
0x82: {  	_ =	shalt  }
0x83: {  	_ =	shalt  }
0x84: {  	_ =	shalt  }
0x85: {  	_ =	shalt  }
0x86: {  	_ =	shalt  }
0x87: {  	_ =	shalt  }
.Lfunc_end0:
.L_simem_size_0:
called_computation_lowered:
.L_overlay_start_0:
0x88: {  	s2 =	sld [smem:$0x3FD9]  }
0x89: {  	s3 =	sld [smem:$0x3FFE];
	_ =	sdelay $0x1  }
0x8a: {  	s1 =	srdreg.scid  }
0x8b: {  	s0 =	sand.u32 $0x1, s1  }
0x8c: {  	s17 =	sshll.u32 s0, $0xA;
	s2 =	sadd.s32 s3, s2  }
0x8d: {  	s2 =	sadd.s32 s2, s17  }
0x8e: {  	[smem:$0x3FC6] =	sst s2  }
0x8f: {  	_ = 	snop  }
0x90: {  	s2 =	sld [smem:$0x3FD0];
	(tm) =	ssettm $0x1  }
0x91: {  	s18 =	sld [smem:$0x3FFB];
	_ =	sdelay $0x3  }
0x92: {  	_ =	strace s18  }
0x93: {  	s3 =	sld [smem:$0x3FFC];
	_ =	sdelay $0x3  }
0x94: {  	_ =	strace s3  }
0x95: {  	s3 =	sld [smem:$0x3FFD];
	_ =	sdelay $0x3  }
0x96: {  	_ =	strace s3  }
0x97: {  	_ =	strace $0x8FFFFFFF  }
0x98: {  	s19 =	sld [smem:$0x3FDB];
	_ =	sdelay $0x1  }
0x99: {  	s4 =	simm.s32 $_scs_section_size  }
0x9a: {  	s5 =	simm.s32 $_size__tile_overlayer_lowered;
	s6 =	simm.s32 $_tile_overlayer_lowered  }
0x9b: {  	s22 =	simm.s32 $0x1BFF;
	s21 =	sshll.u32 s6, $0x1;
	s3 =	sadd.s32 s4, s19  }
0x9c: {  	s7 =	simm.s32 $0x0;
	s20 =	sshll.u32 s5, $0x1;
	s5 =	sadd.s32 s21, s3  }
0x9d: {  	[timem:s7], [sflag:s22] =	dma.local [hbm:s5], s20  }
0x9e: {  	_ =	swait.ge [sflag:s22], s20  }
0x9f: {  	s4 =	ssub.s32 $0x0, s20;
	[sflag:s22] =	ssyncset.done $0x0  }
0xa0: {  	[sflag:s22] =	ssyncadd.s32 s4;
	_ =	sdelay $0x1  }
0xa1: {  	s23 =	simm.s32 $0x1B8B  }
0xa2: {  	_ =	swait.ge [sflag:s23], $0x1  }
0xa3: {  	[sflag:s23] =	ssyncset.done $0x0  }
0xa4: {  	s25 =	simm.s32 $0x1B8E;
	s24 =	sld [smem:$0x3FFE];
	[sflag:s23] =	ssyncadd.s32 $0xFFFFFFFF  }
0xa5: {  	s26 =	simm.s32 $execute0_lowered;
	[smem:$0x3FD2] =	sst s25  }
0xa6: {  	s5 =	sshll.u32 s26, $0x1;
	_ =	strace $0x80000046;
	[dreg:$0x1] =	wrdreg $0xFFFFFFFF  }
0xa7: {  	s28 =	simm.s32 $_size_execute0_lowered;
	s3 =	sadd.s32 s3, s5;
	[dreg:$0x0] =	wrdreg $0x0  }
0xa8: {  	s5 =	sshll.u32 s28, $0x1;
	[dreg:$0x2] =	wrdreg s3  }
0xa9: {  	[dreg:$0x3] =	wrdreg s5  }
0xaa: {  	[dreg:$0x4] =	wrdreg $0xC0  }
0xab: {  	_ =	task [dreg:s7], $0x5FFFF  }
0xac: {  	[dreg:$0x1] =	wrdreg $0xFFFFFFFF  }
0xad: {  	[dreg:$0x0] =	wrdreg $0x60  }
0xae: {  	[dreg:$0x2] =	wrdreg s24  }
0xaf: {  	[dreg:$0x3] =	wrdreg s2  }
0xb0: {  	[dreg:$0x4] =	wrdreg $0x9  }
0xb1: {  	_ =	task.clear_ibuf [dreg:s7], $0x5FFFF;
	_ =	strace $0x90000046  }
0xb2: {  	s29 =	simm.s32 $0x9;
	_ =	strace $0x80000048  }
0xb3: {  	_ =	swait.ge [sflag:s29], $0x1  }
0xb4: {  	[sflag:s29] =	ssyncadd.s32 $0xFFFFFFFF  }
0xb5: {  	_ =	strace $0x90000048  }
0xb6: {  	_ =	sfence  }
0xb7: {  	s30 =	sld [smem:$0x0];
	_ =	sdelay $0x2  }
0xb8: {  	s31 =	sshll.u32 s1, $0xD;
	s1 =	sshrl.u32 s1, $0x2  }
0xb9: {  	s3 =	sand.u32 $0x4000, s31;
	s1 =	sadd.s32 s1, s30  }
0xba: {  	s0 =	sor.u32 s3, s0;
	s1 =	sshll.u32 s1, $0x11  }
0xbb: {  	s0 =	sor.u32 s1, s0  }
0xbc: {  	s0 =	sadd.s32 $0x8F2B, s0  }
0xbd: {  	[sflag:s0] =	ssyncadd.remote.s32 $0x1  }
0xbe: {  	_ =	sfence.sel $0xFFFF  }
0xbf: {  	[dreg:$0x0] =	wrdreg $0xFFFFFFFF;
	(pc) =	sbr.abs _section_cstart, $3  }
0xc0: {  	[dreg:$0x1] =	wrdreg $0xFFFFFFFF  }
0xc1: {  	_ =	task.clear_ibuf [dreg:s7], $0x2FFFF;
	_ =	strace $0x9FFFFFFF  }
0xc2: {  	(tm) =	ssettm $0x7FFFFFFF  }
0xc3: {  	_ =	shalt  }
tec
execute0_lowered:
.L_overlay_start_1:
0x0: {  	(tag) =	ssettag $0x1  }
0x1: {  	s0 =	rddreg [dreg:$0x0];
	s1 =	srdreg.scid  }
0x2: {  	s8 =	stileid.u32;
	s2 =	rddreg [dreg:$0x1];
	s3 =	simm.s32 $0x0  }
0x3: {  	s18 =	simm.s32 $0x7;
	s19 =	simm.s32 $0x1;
	s20 =	simm.s32 $0x1B6A0  }
0x4: {  	s21 =	simm.s32 $0x80;
	s22 =	simm.s32 $0x400;
	s23 =	simm.s32 $0x1C6A0  }
0x5: {  	s28 =	simm.s32 $0x5;
	s29 =	simm.s32 $0x4;
	s30 =	simm.s32 $0x6  }
0x6: {  	s31 =	simm.s32 $0x0;
	s1 =	sand.u32 $0x1, s1;
	s4 =	sshll.u32 s8, $0x1  }
0x7: {  	[smem:$0x7FF] =	sst s3;
	s24 =	sadd.s32 $0x600, s0;
	s25 =	sadd.s32 $0x800, s0  }
0x8: {  	s26 =	sshll.u32 s8, $0xD;
	s8 =	sadd.s32 $0xC00, s0;
	s9 =	sadd.s32 $0x4000, s2  }
0x9: {  	s10 =	sadd.s32 $0xE00, s0;
	s11 =	sadd.s32 $0x8000, s2;
	s12 =	sadd.s32 $0x1000, s0  }
0xa: {  	s5 =	sor.u32 s1, s4;
	_ =	strace $0x80000047;
	[dreg:$0x3] =	wrdreg s24  }
0xb: {  	s1 =	ssub.s32 $0x2, s1;
	s4 =	sadd.s32 $0x400, s0;
	[dreg:$0x4] =	wrdreg s25  }
0xc: {  	s24 =	simm.s32 $0x2;
	s6 =	smul.u32 $0x30D4, s5;
	s7 =	sshrl.u32 s1, $0x1  }
0xd: {  	s25 =	simm.s32 $0x1D6A0;
	s5 =	sshll.u32 s5, $0x7;
	s1 =	ssub.s32 s1, s7  }
0xe: {  	s5 =	sor.u32 s5, s26;
	s26 =	simm.s32 $0x3;
	s6 =	sadd.s32 s6, s0  }
0xf: {  	s13 =	smax.u32 s1, $0x1;
	s14 =	sand.u32 $0x18380, s5;
	s7 =	sadd.s32 $0x19400, s6  }
.LBB2_1:
0x10: {  	s0 =	simm.s32 $0x186A0  }
0x11: {  	[tilespmem:s0], [sflag:$0x1] =	stream.linear.gather [hbm4b:s4+s3], $0x1000, $0x38;
	[tilespmem:$0x1E6A0] =	vst v63  }
0x12: {  	s15 =	rddreg [dreg:$0x3];
	s1 =	simm.s32 $0x196A0  }
0x13: {  	[tilespmem:s1], [sflag:$0x2] =	stream.linear.gather [hbm4b:s15+s3], $0x1000, $0x38;
	[tilespmem:$0x1E6A0] =	vst v63  }
0x14: {  	s16 =	rddreg [dreg:$0x4];
	s17 =	simm.s32 $0x1A6A0  }
0x15: {  	[tilespmem:s17], [sflag:$0x3] =	stream.linear.gather [hbm4b:s16+s3], $0x1000, $0x38;
	[tilespmem:$0x1E6A0] =	vst v63  }
0x16: {  	_ = 	snop  }
0x17: {  	[tilespmem:s3], [sflag:$0x7] =	stream.linear.gather [hbm4b:s7+s3], $0x186A0, $0x38;
	[tilespmem:$0x1E6A0] =	vst v63  }
0x18: {  	_ =	swait.ge [sflag:s18], $0x186A0  }
0x19: {  	[sflag:s18] =	ssyncset.done $0x0  }
0x1a: {  	s1 =	simm.s32 $0x0;
	[sflag:s18] =	ssyncadd.s32 $0xFFFE7960  }
.LBB2_2:
0x1b: {  	_ =	swait.ge [sflag:s19], $0x1000;
	s0 =	sshllo.u32 s1, $0x2  }
0x1c: {  	[sflag:s19] =	ssyncset.done $0x0;
	s5 =	sshll.u32 s0, $0x9  }
0x1d: {  	p0 =	seq.s32 s1, $0x0;
	[sflag:s19] =	ssyncadd.s32 $0xFFFFF000;
	s5 =	sadd.s32 s4, s5  }
0x1e: {  	[tilespmem:s20], [sflag:$0x4] =	stream.linear.gather [hbm4b:s5+s3], $0x1000, $0x38;
	[tilespmem:$0x1E6A0] =	vst v63  }
0x1f: {  	s5 =	simm.s32 @!p0 $0x5  }
0x20: {  	_ =	swait.ge @!p0 [sflag:s5], $0x1000  }
0x21: {  	[sflag:s5] =	ssyncset.done @!p0 $0x0  }
0x22: {  	s17 =	simm.s32 $0x186E0;
	[sflag:s5] =	ssyncadd.s32 @!p0 $0xFFFFF000  }
0x23: {  	v0 =	vld [tilespmem:s17+$0x30]  }
0x24: {  	v1 =	vld [tilespmem:s17+$0xFFFFFFD0]  }
0x25: {  	v2 =	vld [tilespmem:s17+$0xFFFFFFE0]  }
0x26: {  	v3 =	vld [tilespmem:s17+$0xFFFFFFF0]  }
0x27: {  	v6 =	vld [tilespmem:s17+$0x0]  }
0x28: {  	v7 =	vld [tilespmem:s17+$0x10]  }
0x29: {  	v8 =	vld [tilespmem:s17+$0x20]  }
0x2a: {  	v9 =	vld [tilespmem:s17+$0xFFFFFFC0]  }
0x2b: {  	v10 =	vld.idx.msk [tilespmem:v0+s3+$0x0], $0xffff  }
0x2c: {  	v11 =	vld.idx.msk [tilespmem:v1+s3+$0x0], $0xffff  }
0x2d: {  	v5 =	vld.idx.msk [tilespmem:v2+s3+$0x0], $0xffff  }
0x2e: {  	v4 =	vld.idx.msk [tilespmem:v3+s3+$0x0], $0xffff  }
0x2f: {  	v3 =	vld.idx.msk [tilespmem:v6+s3+$0x0], $0xffff  }
0x30: {  	s16 =	simm.s32 $0x1C6E0;
	v1 =	vld.idx.msk [tilespmem:v7+s3+$0x0], $0xffff  }
0x31: {  	v0 =	vld.idx.msk [tilespmem:v8+s3+$0x0], $0xffff;
	[tilespmem:s16+$0x30] =	vst v10  }
0x32: {  	s15 =	simm.s32 $0x0;
	s5 =	simm.s32 $0x18760;
	v2 =	vld.idx.msk [tilespmem:v9+s3+$0x0], $0xffff;
	[tilespmem:s16+$0xFFFFFFD0] =	vst v11  }
.LBB2_3:
0x33: {  	v6 =	vld [tilespmem:s5+$0x30];
	s15 =	sadd.s32 $0x8, s15;
	[tilespmem:s16+$0xFFFFFFE0] =	vst v5  }
0x34: {  	v5 =	vld [tilespmem:s5+$0xFFFFFFD0];
	p0 =	slt.u32 s15, $0xF8;
	[tilespmem:s16+$0xFFFFFFF0] =	vst v4  }
0x35: {  	v4 =	vld [tilespmem:s5+$0xFFFFFFE0];
	[tilespmem:s16+$0x0] =	vst v3  }
0x36: {  	v3 =	vld [tilespmem:s5+$0xFFFFFFF0];
	[tilespmem:s16+$0x10] =	vst v1  }
0x37: {  	v1 =	vld [tilespmem:s5+$0x0];
	[tilespmem:s16+$0x20] =	vst v0  }
0x38: {  	v0 =	vld [tilespmem:s5+$0x10];
	[tilespmem:s16+$0xFFFFFFC0] =	vst v2  }
0x39: {  	v2 =	vld [tilespmem:s5+$0x20]  }
0x3a: {  	v7 =	vld [tilespmem:s5+$0xFFFFFFC0]  }
0x3b: {  	v6 =	vld.idx.msk [tilespmem:v6+s3+$0x0], $0xffff  }
0x3c: {  	v8 =	vld.idx.msk [tilespmem:v5+s3+$0x0], $0xffff  }
0x3d: {  	v5 =	vld.idx.msk [tilespmem:v4+s3+$0x0], $0xffff  }
.Ltmp0:
0x3e: {  	v4 =	vld.idx.msk [tilespmem:v3+s3+$0x0], $0xffff;
	(pc) =	sbr.rel @p0 .LBB2_3-.Ltmp0, $4  }
0x3f: {  	v3 =	vld.idx.msk [tilespmem:v1+s3+$0x0], $0xffff  }
0x40: {  	s16 =	sadd.s32 $0x80, s16;
	v1 =	vld.idx.msk [tilespmem:v0+s3+$0x0], $0xffff  }
0x41: {  	v0 =	vld.idx.msk [tilespmem:v2+s3+$0x0], $0xffff;
	[tilespmem:s16+$0x30] =	vst v6  }
0x42: {  	s5 =	sadd.s32 $0x80, s5;
	v2 =	vld.idx.msk [tilespmem:v7+s3+$0x0], $0xffff;
	[tilespmem:s16+$0xFFFFFFD0] =	vst v8  }
0x43: {  	[tilespmem:s16+$0xFFFFFFE0] =	vst v5  }
0x44: {  	[tilespmem:s16+$0xFFFFFFF0] =	vst v4  }
0x45: {  	s5 =	sshll.u32 s1, $0x13;
	[tilespmem:s16+$0x0] =	vst v3  }
0x46: {  	s5 =	sor.u32 s14, s5;
	[tilespmem:s16+$0x10] =	vst v1  }
0x47: {  	s15 =	sshrl.u32 s5, $0x3;
	[tilespmem:s16+$0x20] =	vst v0  }
0x48: {  	p0 =	seq.s32 s1, $0x31;
	s5 =	sadd.s32 s2, s15;
	[tilespmem:s16+$0xFFFFFFC0] =	vst v2  }
0x49: {  	[hbm4b:s5+s21] =	stream.strided.scatter [tilespmem:s23], [sflag:$0x5], $0x1000, s22, s21, $0x38;
	[tilespmem:$0x1E6A0] =	vst v63  }
0x4a: {  	p1 =	seq.s32 @!p0 s1, $0x0;
	s6 =	simm.s32 @!p0 $0x0;
	_ =	swait.ge [sflag:s24], $0x1000  }
0x4b: {  	s17 =	simm.s32 @!p0 $0x186A0;
	s16 =	sshll.u32 @!p0 s1, $0xB;
	[sflag:s24] =	ssyncset.done $0x0  }
0x4c: {  	p1 =	por p0, !p1;
	s5 =	sadd.s32 @!p0 s16, s8;
	[sflag:s24] =	ssyncadd.s32 $0xFFFFF000  }
0x4d: {  	[tilespmem:s17], [sflag:$0x1] =	stream.linear.gather @!p0 [hbm4b:s5+s6], $0x1000, $0x38;
	[tilespmem:$0x1E6A0] =	vst v63  }
0x4e: {  	_ =	swait.ge @p1 [sflag:s30], $0x1000  }
0x4f: {  	[sflag:s30] =	ssyncset.done @p1 $0x0  }
0x50: {  	s17 =	simm.s32 $0x196E0;
	[sflag:s30] =	ssyncadd.s32 @p1 $0xFFFFF000  }
0x51: {  	v0 =	vld [tilespmem:s17+$0x30]  }
0x52: {  	v1 =	vld [tilespmem:s17+$0xFFFFFFD0]  }
0x53: {  	v2 =	vld [tilespmem:s17+$0xFFFFFFE0]  }
0x54: {  	v3 =	vld [tilespmem:s17+$0xFFFFFFF0]  }
0x55: {  	v4 =	vld [tilespmem:s17+$0x0]  }
0x56: {  	v6 =	vld [tilespmem:s17+$0x10]  }
0x57: {  	v7 =	vld [tilespmem:s17+$0x20]  }
0x58: {  	v8 =	vld [tilespmem:s17+$0xFFFFFFC0]  }
0x59: {  	v9 =	vld.idx.msk [tilespmem:v0+s3+$0x0], $0xffff  }
0x5a: {  	v10 =	vld.idx.msk [tilespmem:v1+s3+$0x0], $0xffff  }
0x5b: {  	v5 =	vld.idx.msk [tilespmem:v2+s3+$0x0], $0xffff  }
0x5c: {  	v3 =	vld.idx.msk [tilespmem:v3+s3+$0x0], $0xffff  }
0x5d: {  	v0 =	vld.idx.msk [tilespmem:v4+s3+$0x0], $0xffff  }
0x5e: {  	s17 =	simm.s32 $0x1D6E0;
	v1 =	vld.idx.msk [tilespmem:v6+s3+$0x0], $0xffff  }
0x5f: {  	v2 =	vld.idx.msk [tilespmem:v7+s3+$0x0], $0xffff;
	[tilespmem:s17+$0x30] =	vst v9  }
0x60: {  	s5 =	simm.s32 $0x0;
	s6 =	simm.s32 $0x19760;
	v4 =	vld.idx.msk [tilespmem:v8+s3+$0x0], $0xffff;
	[tilespmem:s17+$0xFFFFFFD0] =	vst v10  }
.LBB2_5:
0x61: {  	v6 =	vld [tilespmem:s6+$0x30];
	s5 =	sadd.s32 $0x8, s5;
	[tilespmem:s17+$0xFFFFFFE0] =	vst v5  }
0x62: {  	v5 =	vld [tilespmem:s6+$0xFFFFFFD0];
	p1 =	slt.u32 s5, $0xF8;
	[tilespmem:s17+$0xFFFFFFF0] =	vst v3  }
0x63: {  	v3 =	vld [tilespmem:s6+$0xFFFFFFE0];
	[tilespmem:s17+$0x0] =	vst v0  }
0x64: {  	v0 =	vld [tilespmem:s6+$0xFFFFFFF0];
	[tilespmem:s17+$0x10] =	vst v1  }
0x65: {  	v1 =	vld [tilespmem:s6+$0x0];
	[tilespmem:s17+$0x20] =	vst v2  }
0x66: {  	v2 =	vld [tilespmem:s6+$0x10];
	[tilespmem:s17+$0xFFFFFFC0] =	vst v4  }
0x67: {  	v4 =	vld [tilespmem:s6+$0x20]  }
0x68: {  	v7 =	vld [tilespmem:s6+$0xFFFFFFC0]  }
0x69: {  	v6 =	vld.idx.msk [tilespmem:v6+s3+$0x0], $0xffff  }
0x6a: {  	v8 =	vld.idx.msk [tilespmem:v5+s3+$0x0], $0xffff  }
0x6b: {  	v5 =	vld.idx.msk [tilespmem:v3+s3+$0x0], $0xffff  }
.Ltmp1:
0x6c: {  	v3 =	vld.idx.msk [tilespmem:v0+s3+$0x0], $0xffff;
	(pc) =	sbr.rel @p1 .LBB2_5-.Ltmp1, $4  }
0x6d: {  	v0 =	vld.idx.msk [tilespmem:v1+s3+$0x0], $0xffff  }
0x6e: {  	s17 =	sadd.s32 $0x80, s17;
	v1 =	vld.idx.msk [tilespmem:v2+s3+$0x0], $0xffff  }
0x6f: {  	v2 =	vld.idx.msk [tilespmem:v4+s3+$0x0], $0xffff;
	[tilespmem:s17+$0x30] =	vst v6  }
0x70: {  	s6 =	sadd.s32 $0x80, s6;
	v4 =	vld.idx.msk [tilespmem:v7+s3+$0x0], $0xffff;
	[tilespmem:s17+$0xFFFFFFD0] =	vst v8  }
0x71: {  	[tilespmem:s17+$0xFFFFFFE0] =	vst v5  }
0x72: {  	[tilespmem:s17+$0xFFFFFFF0] =	vst v3  }
0x73: {  	[tilespmem:s17+$0x0] =	vst v0  }
0x74: {  	[tilespmem:s17+$0x10] =	vst v1  }
0x75: {  	[tilespmem:s17+$0x20] =	vst v2  }
0x76: {  	s5 =	sadd.s32 s15, s9;
	[tilespmem:s17+$0xFFFFFFC0] =	vst v4  }
0x77: {  	[hbm4b:s5+s21] =	stream.strided.scatter [tilespmem:s25], [sflag:$0x6], $0x1000, s22, s21, $0x38;
	[tilespmem:$0x1E6A0] =	vst v63  }
0x78: {  	_ =	swait.ge [sflag:s26], $0x1000  }
0x79: {  	s6 =	simm.s32 @!p0 $0x0;
	[sflag:s26] =	ssyncset.done $0x0  }
0x7a: {  	s17 =	simm.s32 @!p0 $0x196A0;
	s5 =	sadd.s32 @!p0 s16, s10;
	[sflag:s26] =	ssyncadd.s32 $0xFFFFF000  }
0x7b: {  	[tilespmem:s17], [sflag:$0x2] =	stream.linear.gather @!p0 [hbm4b:s5+s6], $0x1000, $0x38;
	[tilespmem:$0x1E6A0] =	vst v63  }
0x7c: {  	_ =	swait.ge [sflag:s28], $0x1000  }
0x7d: {  	[sflag:s28] =	ssyncset.done $0x0  }
0x7e: {  	s17 =	simm.s32 $0x1A6E0;
	[sflag:s28] =	ssyncadd.s32 $0xFFFFF000  }
0x7f: {  	v0 =	vld [tilespmem:s17+$0x30]  }
0x80: {  	v1 =	vld [tilespmem:s17+$0xFFFFFFD0]  }
0x81: {  	v2 =	vld [tilespmem:s17+$0xFFFFFFE0]  }
0x82: {  	v3 =	vld [tilespmem:s17+$0xFFFFFFF0]  }
0x83: {  	v4 =	vld [tilespmem:s17+$0x0]  }
0x84: {  	v6 =	vld [tilespmem:s17+$0x10]  }
0x85: {  	v7 =	vld [tilespmem:s17+$0x20]  }
0x86: {  	v8 =	vld [tilespmem:s17+$0xFFFFFFC0]  }
0x87: {  	v9 =	vld.idx.msk [tilespmem:v0+s3+$0x0], $0xffff  }
0x88: {  	v10 =	vld.idx.msk [tilespmem:v1+s3+$0x0], $0xffff  }
0x89: {  	v5 =	vld.idx.msk [tilespmem:v2+s3+$0x0], $0xffff  }
0x8a: {  	v3 =	vld.idx.msk [tilespmem:v3+s3+$0x0], $0xffff  }
0x8b: {  	v0 =	vld.idx.msk [tilespmem:v4+s3+$0x0], $0xffff  }
0x8c: {  	s17 =	simm.s32 $0x1C6E0;
	v1 =	vld.idx.msk [tilespmem:v6+s3+$0x0], $0xffff  }
0x8d: {  	v2 =	vld.idx.msk [tilespmem:v7+s3+$0x0], $0xffff;
	[tilespmem:s17+$0x30] =	vst v9  }
0x8e: {  	s5 =	simm.s32 $0x0;
	s6 =	simm.s32 $0x1A760;
	v4 =	vld.idx.msk [tilespmem:v8+s3+$0x0], $0xffff;
	[tilespmem:s17+$0xFFFFFFD0] =	vst v10  }
.LBB2_7:
0x8f: {  	v6 =	vld [tilespmem:s6+$0x30];
	s5 =	sadd.s32 $0x8, s5;
	[tilespmem:s17+$0xFFFFFFE0] =	vst v5  }
0x90: {  	v5 =	vld [tilespmem:s6+$0xFFFFFFD0];
	p1 =	slt.u32 s5, $0xF8;
	[tilespmem:s17+$0xFFFFFFF0] =	vst v3  }
0x91: {  	v3 =	vld [tilespmem:s6+$0xFFFFFFE0];
	[tilespmem:s17+$0x0] =	vst v0  }
0x92: {  	v0 =	vld [tilespmem:s6+$0xFFFFFFF0];
	[tilespmem:s17+$0x10] =	vst v1  }
0x93: {  	v1 =	vld [tilespmem:s6+$0x0];
	[tilespmem:s17+$0x20] =	vst v2  }
0x94: {  	v2 =	vld [tilespmem:s6+$0x10];
	[tilespmem:s17+$0xFFFFFFC0] =	vst v4  }
0x95: {  	v4 =	vld [tilespmem:s6+$0x20]  }
0x96: {  	v7 =	vld [tilespmem:s6+$0xFFFFFFC0]  }
0x97: {  	v6 =	vld.idx.msk [tilespmem:v6+s3+$0x0], $0xffff  }
0x98: {  	v8 =	vld.idx.msk [tilespmem:v5+s3+$0x0], $0xffff  }
0x99: {  	v5 =	vld.idx.msk [tilespmem:v3+s3+$0x0], $0xffff  }
.Ltmp2:
0x9a: {  	v3 =	vld.idx.msk [tilespmem:v0+s3+$0x0], $0xffff;
	(pc) =	sbr.rel @p1 .LBB2_7-.Ltmp2, $4  }
0x9b: {  	v0 =	vld.idx.msk [tilespmem:v1+s3+$0x0], $0xffff  }
0x9c: {  	s17 =	sadd.s32 $0x80, s17;
	v1 =	vld.idx.msk [tilespmem:v2+s3+$0x0], $0xffff  }
0x9d: {  	v2 =	vld.idx.msk [tilespmem:v4+s3+$0x0], $0xffff;
	[tilespmem:s17+$0x30] =	vst v6  }
0x9e: {  	s6 =	sadd.s32 $0x80, s6;
	v4 =	vld.idx.msk [tilespmem:v7+s3+$0x0], $0xffff;
	[tilespmem:s17+$0xFFFFFFD0] =	vst v8  }
0x9f: {  	[tilespmem:s17+$0xFFFFFFE0] =	vst v5  }
0xa0: {  	[tilespmem:s17+$0xFFFFFFF0] =	vst v3  }
0xa1: {  	[tilespmem:s17+$0x0] =	vst v0  }
0xa2: {  	[tilespmem:s17+$0x10] =	vst v1  }
0xa3: {  	[tilespmem:s17+$0x20] =	vst v2  }
0xa4: {  	s5 =	sadd.s32 s15, s11;
	[tilespmem:s17+$0xFFFFFFC0] =	vst v4  }
0xa5: {  	[hbm4b:s5+s21] =	stream.strided.scatter [tilespmem:s23], [sflag:$0x5], $0x1000, s22, s21, $0x38;
	[tilespmem:$0x1E6A0] =	vst v63  }
0xa6: {  	_ =	swait.ge [sflag:s29], $0x1000  }
0xa7: {  	s6 =	simm.s32 @!p0 $0x0;
	[sflag:s29] =	ssyncset.done $0x0  }
0xa8: {  	s15 =	simm.s32 @!p0 $0x1A6A0;
	s5 =	sadd.s32 @!p0 s16, s12;
	[sflag:s29] =	ssyncadd.s32 $0xFFFFF000  }
0xa9: {  	[tilespmem:s15], [sflag:$0x3] =	stream.linear.gather @!p0 [hbm4b:s5+s6], $0x1000, $0x38;
	[tilespmem:$0x1E6A0] =	vst v63  }
0xaa: {  	_ =	swait.ge [sflag:s30], $0x1000  }
0xab: {  	[sflag:s30] =	ssyncset.done $0x0  }
0xac: {  	s17 =	simm.s32 $0x1B6E0;
	[sflag:s30] =	ssyncadd.s32 $0xFFFFF000  }
0xad: {  	v0 =	vld [tilespmem:s17+$0x30]  }
0xae: {  	v1 =	vld [tilespmem:s17+$0xFFFFFFD0]  }
0xaf: {  	v2 =	vld [tilespmem:s17+$0xFFFFFFE0]  }
0xb0: {  	v3 =	vld [tilespmem:s17+$0xFFFFFFF0]  }
0xb1: {  	v6 =	vld [tilespmem:s17+$0x0]  }
0xb2: {  	v7 =	vld [tilespmem:s17+$0x10]  }
0xb3: {  	v8 =	vld [tilespmem:s17+$0x20]  }
0xb4: {  	v9 =	vld [tilespmem:s17+$0xFFFFFFC0]  }
0xb5: {  	v10 =	vld.idx.msk [tilespmem:v0+s3+$0x0], $0xffff  }
0xb6: {  	v11 =	vld.idx.msk [tilespmem:v1+s3+$0x0], $0xffff  }
0xb7: {  	v5 =	vld.idx.msk [tilespmem:v2+s3+$0x0], $0xffff  }
0xb8: {  	v4 =	vld.idx.msk [tilespmem:v3+s3+$0x0], $0xffff  }
0xb9: {  	v3 =	vld.idx.msk [tilespmem:v6+s3+$0x0], $0xffff  }
0xba: {  	s15 =	simm.s32 $0x1D6E0;
	v1 =	vld.idx.msk [tilespmem:v7+s3+$0x0], $0xffff  }
0xbb: {  	v0 =	vld.idx.msk [tilespmem:v8+s3+$0x0], $0xffff;
	[tilespmem:s15+$0x30] =	vst v10  }
0xbc: {  	s5 =	simm.s32 $0x0;
	s6 =	simm.s32 $0x1B760;
	v2 =	vld.idx.msk [tilespmem:v9+s3+$0x0], $0xffff;
	[tilespmem:s15+$0xFFFFFFD0] =	vst v11  }
.LBB2_9:
0xbd: {  	v6 =	vld [tilespmem:s6+$0x30];
	s5 =	sadd.s32 $0x8, s5;
	[tilespmem:s15+$0xFFFFFFE0] =	vst v5  }
0xbe: {  	v5 =	vld [tilespmem:s6+$0xFFFFFFD0];
	p0 =	slt.u32 s5, $0xF8;
	[tilespmem:s15+$0xFFFFFFF0] =	vst v4  }
0xbf: {  	v4 =	vld [tilespmem:s6+$0xFFFFFFE0];
	[tilespmem:s15+$0x0] =	vst v3  }
0xc0: {  	v3 =	vld [tilespmem:s6+$0xFFFFFFF0];
	[tilespmem:s15+$0x10] =	vst v1  }
0xc1: {  	v1 =	vld [tilespmem:s6+$0x0];
	[tilespmem:s15+$0x20] =	vst v0  }
0xc2: {  	v0 =	vld [tilespmem:s6+$0x10];
	[tilespmem:s15+$0xFFFFFFC0] =	vst v2  }
0xc3: {  	v2 =	vld [tilespmem:s6+$0x20]  }
0xc4: {  	v7 =	vld [tilespmem:s6+$0xFFFFFFC0]  }
0xc5: {  	v6 =	vld.idx.msk [tilespmem:v6+s3+$0x0], $0xffff  }
0xc6: {  	v8 =	vld.idx.msk [tilespmem:v5+s3+$0x0], $0xffff  }
0xc7: {  	v5 =	vld.idx.msk [tilespmem:v4+s3+$0x0], $0xffff  }
.Ltmp3:
0xc8: {  	v4 =	vld.idx.msk [tilespmem:v3+s3+$0x0], $0xffff;
	(pc) =	sbr.rel @p0 .LBB2_9-.Ltmp3, $4  }
0xc9: {  	v3 =	vld.idx.msk [tilespmem:v1+s3+$0x0], $0xffff  }
0xca: {  	s15 =	sadd.s32 $0x80, s15;
	v1 =	vld.idx.msk [tilespmem:v0+s3+$0x0], $0xffff  }
0xcb: {  	v0 =	vld.idx.msk [tilespmem:v2+s3+$0x0], $0xffff;
	[tilespmem:s15+$0x30] =	vst v6  }
0xcc: {  	s6 =	sadd.s32 $0x80, s6;
	v2 =	vld.idx.msk [tilespmem:v7+s3+$0x0], $0xffff;
	[tilespmem:s15+$0xFFFFFFD0] =	vst v8  }
0xcd: {  	[tilespmem:s15+$0xFFFFFFE0] =	vst v5;
	s1 =	sadd.s32 $0x1, s1  }
0xce: {  	[tilespmem:s15+$0xFFFFFFF0] =	vst v4;
	p0 =	sne.s32 s1, $0x32  }
.Ltmp4:
0xcf: {  	s0 =	sshll.u32 s0, $0x11;
	[tilespmem:s15+$0x0] =	vst v3;
	(pc) =	sbr.rel @p0 .LBB2_2-.Ltmp4, $4  }
0xd0: {  	s0 =	sor.u32 s14, s0;
	[tilespmem:s15+$0x10] =	vst v1  }
0xd1: {  	s0 =	sshrl.u32 s0, $0x3;
	[tilespmem:s15+$0x20] =	vst v0  }
0xd2: {  	s0 =	sadd.s32 s2, s0;
	[tilespmem:s15+$0xFFFFFFC0] =	vst v2  }
0xd3: {  	[hbm4b:s0+s21] =	stream.strided.scatter [tilespmem:s25], [sflag:$0x6], $0x1000, s22, s21, $0x38;
	[tilespmem:$0x1E6A0] =	vst v63  }
0xd4: {  	s31 =	sadd.s32 $0x1, s31  }
0xd5: {  	_ =	swait.ge [sflag:s28], $0x1000;
	p0 =	sne.s32 s31, s13  }
.Ltmp5:
0xd6: {  	[sflag:s28] =	ssyncset.done $0x0;
	(pc) =	sbr.rel @p0 .LBB2_1-.Ltmp5, $4  }
0xd7: {  	[sflag:s28] =	ssyncadd.s32 $0xFFFFF000  }
0xd8: {  	_ =	swait.ge [sflag:s30], $0x1000  }
0xd9: {  	[sflag:s30] =	ssyncset.done $0x0  }
0xda: {  	[sflag:s30] =	ssyncadd.s32 $0xFFFFF000  }
0xdb: {  	_ =	sfence.sel $0x180000  }
0xdc: {  	[bflag:$0x0] =	sbarrier.arrive $0xFFFF  }
0xdd: {  	_ =	strace $0x90000047  }
0xde: {  	s0 =	stileid.u32;
	[bflag:$0x2] =	sbarrier.arrive $0xFFFF  }
0xdf: {  	p0 =	sne.s32 s0, $0x0;
	s0 =	rddreg [dreg:$0x2]  }
0xe0: {  	s0 =	sadd.s32 @!p0 $0x100000, s0  }
0xe1: {  	[sflag:s0] =	ssyncadd.tile.s32 @!p0 $0x1;
	_ =	shalt  }
.Lfunc_end2:
_tile_overlayer_lowered:
.L_overlay_start_2:
0xe2: {  	(tag) =	ssettag $0x2  }
0xe3: {  	s0 =	rddreg [dreg:$0x0];
	s2 =	stileid.u32  }
0xe4: {  	s1 =	rddreg [dreg:$0x1];
	p0 =	sne.s32 s2, $0x0  }
0xe5: {  	s3 =	rddreg [dreg:$0x2];
	[bflag:$0x3] =	sbarrier.arrive $0xFFFF;
	s2 =	simm.s32 @!p0 $0x1C07  }
0xe6: {  	[timem:s3], [sflag:s2] =	dma.local @!p0 [hbm:s0], s1  }
0xe7: {  	s0 =	simm.s32 @!p0 $0x7  }
0xe8: {  	_ =	swait.ge @!p0 [sflag:s0], s1  }
0xe9: {  	s1 =	ssub.s32 @!p0 $0x0, s1;
	[sflag:s0] =	ssyncset.done @!p0 $0x0  }
0xea: {  	[sflag:s0] =	ssyncadd.s32 @!p0 s1  }
0xeb: {  	[bflag:$0x3] =	sbarrier.arrive $0xFFFF  }
0xec: {  	_ =	shalt  }

</sc_bundles>
